<compile_context>
chip_gen: v7x
topology: tpu7x:2x2x1
jax: 0.10.2.dev20260603
libtpu: 0.0.44.dev20260713+nightly
codegen_flags: <defaults>
</compile_context>

<pallas_src>
import functools

import jax
import jax.numpy as jnp
from jax import lax
from jax.experimental import pallas as pl
from jax.experimental.pallas import tpu as pltpu
from jax.experimental.pallas import tpu_sc as plsc


def kernel(x, inds):
    N, F = x.shape
    K = inds.shape[0]
    L = 16

    NW = 32
    rows = N // NW
    CR = 8
    NCH = rows // CR

    mesh = plsc.VectorSubcoreMesh(core_axis_name="c", subcore_axis_name="s")

    @functools.partial(
        pl.kernel,
        out_type=jax.ShapeDtypeStruct((N, K), jnp.float32),
        mesh=mesh,
        scratch_types=[
            pltpu.VMEM((3 * CR, F), jnp.float32),
            pltpu.VMEM((2, CR, K), jnp.float32),
            pltpu.VMEM((K,), jnp.int32),
            pltpu.SemaphoreType.DMA,
            pltpu.SemaphoreType.DMA,
        ],
        compiler_params=pltpu.CompilerParams(
            use_tc_tiling_on_sc=True, needs_layout_passes=False
        ),
    )
    def gather_cols(x_hbm, inds_hbm, out_hbm, inbuf, outbuf, indsbuf, insem, outsem):
        wid = lax.axis_index("s") * 2 + lax.axis_index("c")
        base = wid * rows
        pltpu.sync_copy(inds_hbm, indsbuf)
        cols = [indsbuf[pl.ds(L * j, L)] for j in range(K // L)]

        def in_cp(i, slot):
            return pltpu.make_async_copy(
                x_hbm.at[pl.ds(base + i * CR, CR)],
                inbuf.at[pl.ds(slot * CR, CR)],
                insem,
            )

        def out_cp(i, oslot):
            return pltpu.make_async_copy(
                outbuf.at[oslot],
                out_hbm.at[pl.ds(base + i * CR, CR)],
                outsem,
            )

        in_cp(0, 0).start()
        in_cp(1, 1).start()

        def chunk_body(i, carry):
            slot = lax.rem(i, 3)
            oslot = lax.rem(i, 2)

            @pl.when(i + 2 < NCH)
            def _():
                in_cp(i + 2, lax.rem(i + 2, 3)).start()

            in_cp(i, slot).wait()

            @pl.when(i >= 2)
            def _():
                out_cp(i - 2, oslot).wait()

            for r in range(CR):
                rowv = jnp.zeros((L,), jnp.int32) + (slot * CR + r)
                for j in range(K // L):
                    outbuf[oslot, r, pl.ds(L * j, L)] = plsc.load_gather(
                        inbuf, [rowv, cols[j]]
                    )
            out_cp(i, oslot).start()
            return carry

        lax.fori_loop(0, NCH, chunk_body, 0)
        out_cp(NCH - 2, lax.rem(NCH - 2, 2)).wait()
        out_cp(NCH - 1, lax.rem(NCH - 1, 2)).wait()

    return gather_cols(x, inds)

# --- scband reference (transcript-rebuilt; emitter-appended) ---
"""Pipeline reference for scband-static-mask-layer1d-81690277969979 (READ-ONLY COPY).

The authoritative reference and input builder live on the scoring server;
editing this copy changes nothing except your own understanding.
"""

import jax, jax.numpy as jnp
import numpy as np


def setup_inputs(seed: int = 0) -> dict:
    key = jax.random.key(seed)
    x = jax.random.normal(key, (16384, 4096), dtype=jnp.float32)
    # static mask indices from init_kwargs: arange(0, 4096, 32) -> 128 columns
    inds = jnp.arange(0, 4096, 32, dtype=jnp.int32)
    return {"x": x, "inds": inds}


def reference(x, inds):
    # StaticMaskLayer1d.forward: return x[:, self.inds]
    return jnp.take(x, inds, axis=1)

if __name__ == "__main__":
    import jax
    _d = setup_inputs()
    print(jax.jit(kernel)(*tuple(_d.values())))

</pallas_src>

<mosaic_0001>
#map = affine_map<(d0, d1) -> (0, 0)>
#map1 = affine_map<(d0, d1) -> (0)>
module attributes {stable_mosaic.version = 14 : i64} {
  func.func @gather_cols(%arg0: i32, %arg1: i32, %arg2: memref<16384x4096xf32, #tpu.memory_space<hbm>>, %arg3: memref<128xi32, #tpu.memory_space<hbm>>, %arg4: memref<16384x128xf32, #tpu.memory_space<hbm>>, %arg5: memref<24x4096xf32, #tpu.memory_space<vmem>>, %arg6: memref<2x8x128xf32, #tpu.memory_space<vmem>>, %arg7: memref<128xi32, #tpu.memory_space<vmem>>, %arg8: memref<!tpu.dma_semaphore, #tpu.memory_space<semaphore_mem>>, %arg9: memref<!tpu.dma_semaphore, #tpu.memory_space<semaphore_mem>>) attributes {dimension_semantics = [#tpu.dimension_semantics<core_parallel>, #tpu.dimension_semantics<subcore_parallel>], iteration_bounds = array<i64: 2, 16>, scalar_prefetch = 0 : i64, scratch_operands = 5 : i64, tpu.core_type = #tpu.core_type<sc_vector_subcore>, window_params = [{transform_indices = #map}, {transform_indices = #map1}, {transform_indices = #map}]} {
    %mul3A = arith.constant 2 : i32
    %mul3A_0 = arith.muli %arg1, %mul3A : i32
    %add3A = arith.addi %mul3A_0, %arg0 : i32
    %mul3A_1 = arith.constant 512 : i32
    %mul3A_2 = arith.muli %add3A, %mul3A_1 : i32
    "tpu.region"() ({
      %run_scoped3A = tpu.sem_alloc : memref<!tpu.dma_semaphore, #tpu.memory_space<semaphore_mem>>
      tpu.enqueue_dma source(%arg3 : memref<128xi32, #tpu.memory_space<hbm>>) target(%arg7 : memref<128xi32, #tpu.memory_space<vmem>>) target_semaphore(%run_scoped3A : memref<!tpu.dma_semaphore, #tpu.memory_space<semaphore_mem>>)
      tpu.wait_dma2 semaphore(%run_scoped3A : memref<!tpu.dma_semaphore, #tpu.memory_space<semaphore_mem>>) src(%arg3 : memref<128xi32, #tpu.memory_space<hbm>>) dst(%arg7 : memref<128xi32, #tpu.memory_space<vmem>>)
      tpu.yield
    }) : () -> ()
    %get3A = arith.constant 0 : index
    %get3A_3 = tpu.vector_load %arg7[%get3A] {strides = array<i32>} : memref<128xi32, #tpu.memory_space<vmem>>, vector<16xi32>,
    %get3A_4 = arith.constant 16 : index
    %get3A_5 = tpu.vector_load %arg7[%get3A_4] {strides = array<i32>} : memref<128xi32, #tpu.memory_space<vmem>>, vector<16xi32>,
    %get3A_6 = arith.constant 32 : index
    %get3A_7 = tpu.vector_load %arg7[%get3A_6] {strides = array<i32>} : memref<128xi32, #tpu.memory_space<vmem>>, vector<16xi32>,
    %get3A_8 = arith.constant 48 : index
    %get3A_9 = tpu.vector_load %arg7[%get3A_8] {strides = array<i32>} : memref<128xi32, #tpu.memory_space<vmem>>, vector<16xi32>,
    %get3A_10 = arith.constant 64 : index
    %get3A_11 = tpu.vector_load %arg7[%get3A_10] {strides = array<i32>} : memref<128xi32, #tpu.memory_space<vmem>>, vector<16xi32>,
    %get3A_12 = arith.constant 80 : index
    %get3A_13 = tpu.vector_load %arg7[%get3A_12] {strides = array<i32>} : memref<128xi32, #tpu.memory_space<vmem>>, vector<16xi32>,
    %get3A_14 = arith.constant 96 : index
    %get3A_15 = tpu.vector_load %arg7[%get3A_14] {strides = array<i32>} : memref<128xi32, #tpu.memory_space<vmem>>, vector<16xi32>,
    %get3A_16 = arith.constant 112 : index
    %get3A_17 = tpu.vector_load %arg7[%get3A_16] {strides = array<i32>} : memref<128xi32, #tpu.memory_space<vmem>>, vector<16xi32>,
    %add3A_18 = arith.constant 0 : i32
    %add3A_19 = arith.addi %mul3A_2, %add3A_18 : i32
    %dma_start3A = arith.constant 0 : i32
    %dma_start3A_20 = arith.constant 0 : i32
    %dma_start3A_21 = tpu.memref_slice %arg5[%dma_start3A, %dma_start3A_20] : memref<24x4096xf32, #tpu.memory_space<vmem>> -> memref<8x4096xf32, #tpu.memory_space<vmem>>
    %dma_start3A_22 = arith.constant 0 : i32
    %dma_start3A_23 = tpu.memref_slice %arg2[%add3A_19, %dma_start3A_22] : memref<16384x4096xf32, #tpu.memory_space<hbm>> -> memref<8x4096xf32, #tpu.memory_space<hbm>>
    %dma_start3A_24 = arith.constant 0 : i32
    %dma_start3A_25 = arith.constant 0 : i32
    %dma_start3A_26 = tpu.memref_slice %arg5[%dma_start3A_24, %dma_start3A_25] : memref<24x4096xf32, #tpu.memory_space<vmem>> -> memref<8x4096xf32, #tpu.memory_space<vmem>>
    %dma_start3A_27 = arith.constant 0 : i32
    %dma_start3A_28 = tpu.memref_slice %arg2[%add3A_19, %dma_start3A_27] : memref<16384x4096xf32, #tpu.memory_space<hbm>> -> memref<8x4096xf32, #tpu.memory_space<hbm>>
    tpu.enqueue_dma source(%dma_start3A_28 : memref<8x4096xf32, #tpu.memory_space<hbm>>) target(%dma_start3A_26 : memref<8x4096xf32, #tpu.memory_space<vmem>>) target_semaphore(%arg8 : memref<!tpu.dma_semaphore, #tpu.memory_space<semaphore_mem>>)
    %add3A_29 = arith.constant 8 : i32
    %add3A_30 = arith.addi %mul3A_2, %add3A_29 : i32
    %dma_start3A_31 = arith.constant 8 : i32
    %dma_start3A_32 = arith.constant 0 : i32
    %dma_start3A_33 = tpu.memref_slice %arg5[%dma_start3A_31, %dma_start3A_32] : memref<24x4096xf32, #tpu.memory_space<vmem>> -> memref<8x4096xf32, #tpu.memory_space<vmem>>
    %dma_start3A_34 = arith.constant 0 : i32
    %dma_start3A_35 = tpu.memref_slice %arg2[%add3A_30, %dma_start3A_34] : memref<16384x4096xf32, #tpu.memory_space<hbm>> -> memref<8x4096xf32, #tpu.memory_space<hbm>>
    %dma_start3A_36 = arith.constant 8 : i32
    %dma_start3A_37 = arith.constant 0 : i32
    %dma_start3A_38 = tpu.memref_slice %arg5[%dma_start3A_36, %dma_start3A_37] : memref<24x4096xf32, #tpu.memory_space<vmem>> -> memref<8x4096xf32, #tpu.memory_space<vmem>>
    %dma_start3A_39 = arith.constant 0 : i32
    %dma_start3A_40 = tpu.memref_slice %arg2[%add3A_30, %dma_start3A_39] : memref<16384x4096xf32, #tpu.memory_space<hbm>> -> memref<8x4096xf32, #tpu.memory_space<hbm>>
    tpu.enqueue_dma source(%dma_start3A_40 : memref<8x4096xf32, #tpu.memory_space<hbm>>) target(%dma_start3A_38 : memref<8x4096xf32, #tpu.memory_space<vmem>>) target_semaphore(%arg8 : memref<!tpu.dma_semaphore, #tpu.memory_space<semaphore_mem>>)
    %scan3A = arith.constant 0 : i32
    %scan3A_41 = arith.constant 0 : i32
    %scan3A_42 = arith.constant 64 : i32
    %scan3A_43 = arith.addi %scan3A_41, %scan3A_42 : i32
    %scan3A_44 = arith.constant 1 : i32
    scf.for %scan3A_78 = %scan3A_41 to %scan3A_43 step %scan3A_44  : i32 {
      %rem3A_79 = arith.constant 3 : i32
      %rem3A_80 = arith.remsi %scan3A_78, %rem3A_79 : i32
      %rem3A_81 = arith.constant 2 : i32
      %rem3A_82 = arith.remsi %scan3A_78, %rem3A_81 : i32
      %add3A_83 = arith.constant 2 : i32
      %add3A_84 = arith.addi %scan3A_78, %add3A_83 : i32
      %lt3A = arith.constant 64 : i32
      %lt3A_85 = arith.cmpi slt, %add3A_84, %lt3A : i32
      %convert_element_type3A = arith.extui %lt3A_85 : i1 to i32
      %cond3A = arith.constant 0 : i32
      %cond3A_86 = arith.cmpi ne, %convert_element_type3A, %cond3A : i32
      scf.if %cond3A_86 {
        %add3A_564 = arith.constant 2 : i32
        %add3A_565 = arith.addi %scan3A_78, %add3A_564 : i32
        %add3A_566 = arith.constant 2 : i32
        %add3A_567 = arith.addi %scan3A_78, %add3A_566 : i32
        %rem3A_568 = arith.constant 3 : i32
        %rem3A_569 = arith.remsi %add3A_567, %rem3A_568 : i32
        %mul3A_570 = arith.constant 8 : i32
        %mul3A_571 = arith.muli %add3A_565, %mul3A_570 : i32
        %add3A_572 = arith.addi %mul3A_2, %mul3A_571 : i32
        %mul3A_573 = arith.constant 8 : i32
        %mul3A_574 = arith.muli %rem3A_569, %mul3A_573 : i32
        %dma_start3A_575 = arith.constant 0 : i32
        %dma_start3A_576 = tpu.memref_slice %arg5[%mul3A_574, %dma_start3A_575] : memref<24x4096xf32, #tpu.memory_space<vmem>> -> memref<8x4096xf32, #tpu.memory_space<vmem>>
        %dma_start3A_577 = arith.constant 0 : i32
        %dma_start3A_578 = tpu.memref_slice %arg2[%add3A_572, %dma_start3A_577] : memref<16384x4096xf32, #tpu.memory_space<hbm>> -> memref<8x4096xf32, #tpu.memory_space<hbm>>
        %dma_start3A_579 = arith.constant 0 : i32
        %dma_start3A_580 = tpu.memref_slice %arg5[%mul3A_574, %dma_start3A_579] : memref<24x4096xf32, #tpu.memory_space<vmem>> -> memref<8x4096xf32, #tpu.memory_space<vmem>>
        %dma_start3A_581 = arith.constant 0 : i32
        %dma_start3A_582 = tpu.memref_slice %arg2[%add3A_572, %dma_start3A_581] : memref<16384x4096xf32, #tpu.memory_space<hbm>> -> memref<8x4096xf32, #tpu.memory_space<hbm>>
        tpu.enqueue_dma source(%dma_start3A_582 : memref<8x4096xf32, #tpu.memory_space<hbm>>) target(%dma_start3A_580 : memref<8x4096xf32, #tpu.memory_space<vmem>>) target_semaphore(%arg8 : memref<!tpu.dma_semaphore, #tpu.memory_space<semaphore_mem>>)
      } else {
      }
      %mul3A_87 = arith.constant 8 : i32
      %mul3A_88 = arith.muli %scan3A_78, %mul3A_87 : i32
      %add3A_89 = arith.addi %mul3A_2, %mul3A_88 : i32
      %mul3A_90 = arith.constant 8 : i32
      %mul3A_91 = arith.muli %rem3A_80, %mul3A_90 : i32
      %dma_wait3A_92 = arith.constant 0 : i32
      %dma_wait3A_93 = tpu.memref_slice %arg5[%mul3A_91, %dma_wait3A_92] : memref<24x4096xf32, #tpu.memory_space<vmem>> -> memref<8x4096xf32, #tpu.memory_space<vmem>>
      %dma_wait3A_94 = arith.constant 0 : i32
      %dma_wait3A_95 = tpu.memref_slice %arg2[%add3A_89, %dma_wait3A_94] : memref<16384x4096xf32, #tpu.memory_space<hbm>> -> memref<8x4096xf32, #tpu.memory_space<hbm>>
      %dma_wait3A_96 = arith.constant 0 : i32
      %dma_wait3A_97 = tpu.memref_slice %arg5[%mul3A_91, %dma_wait3A_96] : memref<24x4096xf32, #tpu.memory_space<vmem>> -> memref<8x4096xf32, #tpu.memory_space<vmem>>
      %dma_wait3A_98 = arith.constant 0 : i32
      %dma_wait3A_99 = tpu.memref_slice %arg2[%add3A_89, %dma_wait3A_98] : memref<16384x4096xf32, #tpu.memory_space<hbm>> -> memref<8x4096xf32, #tpu.memory_space<hbm>>
      tpu.wait_dma2 semaphore(%arg8 : memref<!tpu.dma_semaphore, #tpu.memory_space<semaphore_mem>>) src(%dma_wait3A_99 : memref<8x4096xf32, #tpu.memory_space<hbm>>) dst(%dma_wait3A_97 : memref<8x4096xf32, #tpu.memory_space<vmem>>)
      %ge3A = arith.constant 2 : i32
      %ge3A_100 = arith.cmpi sge, %scan3A_78, %ge3A : i32
      %convert_element_type3A_101 = arith.extui %ge3A_100 : i1 to i32
      %cond3A_102 = arith.constant 0 : i32
      %cond3A_103 = arith.cmpi ne, %convert_element_type3A_101, %cond3A_102 : i32
      scf.if %cond3A_103 {
        %sub3A = arith.constant 2 : i32
        %sub3A_564 = arith.subi %scan3A_78, %sub3A : i32
        %mul3A_565 = arith.constant 8 : i32
        %mul3A_566 = arith.muli %sub3A_564, %mul3A_565 : i32
        %add3A_567 = arith.addi %mul3A_2, %mul3A_566 : i32
        %dma_wait3A_568 = arith.constant 0 : i32
        %dma_wait3A_569 = arith.constant 0 : i32
        %dma_wait3A_570 = tpu.memref_slice %arg6[%rem3A_82, %dma_wait3A_568, %dma_wait3A_569] : memref<2x8x128xf32, #tpu.memory_space<vmem>> -> memref<1x8x128xf32, #tpu.memory_space<vmem>>
        %dma_wait3A_571 = tpu.memref_squeeze %dma_wait3A_570 : memref<1x8x128xf32, #tpu.memory_space<vmem>> -> memref<8x128xf32, #tpu.memory_space<vmem>>
        %dma_wait3A_572 = arith.constant 0 : i32
        %dma_wait3A_573 = tpu.memref_slice %arg4[%add3A_567, %dma_wait3A_572] : memref<16384x128xf32, #tpu.memory_space<hbm>> -> memref<8x128xf32, #tpu.memory_space<hbm>>
        %dma_wait3A_574 = arith.constant 0 : i32
        %dma_wait3A_575 = tpu.memref_slice %arg4[%add3A_567, %dma_wait3A_574] : memref<16384x128xf32, #tpu.memory_space<hbm>> -> memref<8x128xf32, #tpu.memory_space<hbm>>
        %dma_wait3A_576 = arith.constant 0 : i32
        %dma_wait3A_577 = arith.constant 0 : i32
        %dma_wait3A_578 = tpu.memref_slice %arg6[%rem3A_82, %dma_wait3A_576, %dma_wait3A_577] : memref<2x8x128xf32, #tpu.memory_space<vmem>> -> memref<1x8x128xf32, #tpu.memory_space<vmem>>
        %dma_wait3A_579 = tpu.memref_squeeze %dma_wait3A_578 : memref<1x8x128xf32, #tpu.memory_space<vmem>> -> memref<8x128xf32, #tpu.memory_space<vmem>>
        tpu.wait_dma2 semaphore(%arg9 : memref<!tpu.dma_semaphore, #tpu.memory_space<semaphore_mem>>) src(%dma_wait3A_579 : memref<8x128xf32, #tpu.memory_space<vmem>>) dst(%dma_wait3A_575 : memref<8x128xf32, #tpu.memory_space<hbm>>)
      } else {
      }
      %broadcast_in_dim3A = arith.constant 0 : i32
      %broadcast_in_dim3A_104 = vector.broadcast %broadcast_in_dim3A : i32 to vector<16xi32>
      %mul3A_105 = arith.constant 8 : i32
      %mul3A_106 = arith.muli %rem3A_80, %mul3A_105 : i32
      %add3A_107 = arith.constant 0 : i32
      %add3A_108 = arith.addi %mul3A_106, %add3A_107 : i32
      %add3A_109 = vector.broadcast %add3A_108 : i32 to vector<16xi32>
      %add3A_110 = arith.addi %broadcast_in_dim3A_104, %add3A_109 : vector<16xi32>
      %gather3A = tpu.vector_load_idx %arg5[%add3A_110, %get3A_3] : memref<24x4096xf32, #tpu.memory_space<vmem>>[vector<16xi32>, vector<16xi32>], vector<16xf32>,
      %swap3A = arith.constant 0 : i32
      %swap3A_111 = arith.index_cast %rem3A_82 : i32 to index
      %swap3A_112 = arith.index_cast %swap3A : i32 to index
      %swap3A_113 = arith.constant 0 : index
      %swap3A_114 = tpu.vector_load %arg6[%swap3A_111, %swap3A_112, %swap3A_113] {strides = array<i32>} : memref<2x8x128xf32, #tpu.memory_space<vmem>>, vector<16xf32>,
      tpu.vector_store %arg6[%swap3A_111, %swap3A_112, %swap3A_113], %gather3A {strides = array<i32>} : memref<2x8x128xf32, #tpu.memory_space<vmem>>, vector<16xf32>,
      %gather3A_115 = tpu.vector_load_idx %arg5[%add3A_110, %get3A_5] : memref<24x4096xf32, #tpu.memory_space<vmem>>[vector<16xi32>, vector<16xi32>], vector<16xf32>,
      %swap3A_116 = arith.constant 0 : i32
      %swap3A_117 = arith.index_cast %rem3A_82 : i32 to index
      %swap3A_118 = arith.index_cast %swap3A_116 : i32 to index
      %swap3A_119 = arith.constant 16 : index
      %swap3A_120 = tpu.vector_load %arg6[%swap3A_117, %swap3A_118, %swap3A_119] {strides = array<i32>} : memref<2x8x128xf32, #tpu.memory_space<vmem>>, vector<16xf32>,
      tpu.vector_store %arg6[%swap3A_117, %swap3A_118, %swap3A_119], %gather3A_115 {strides = array<i32>} : memref<2x8x128xf32, #tpu.memory_space<vmem>>, vector<16xf32>,
      %gather3A_121 = tpu.vector_load_idx %arg5[%add3A_110, %get3A_7] : memref<24x4096xf32, #tpu.memory_space<vmem>>[vector<16xi32>, vector<16xi32>], vector<16xf32>,
      %swap3A_122 = arith.constant 0 : i32
      %swap3A_123 = arith.index_cast %rem3A_82 : i32 to index
      %swap3A_124 = arith.index_cast %swap3A_122 : i32 to index
      %swap3A_125 = arith.constant 32 : index
      %swap3A_126 = tpu.vector_load %arg6[%swap3A_123, %swap3A_124, %swap3A_125] {strides = array<i32>} : memref<2x8x128xf32, #tpu.memory_space<vmem>>, vector<16xf32>,
      tpu.vector_store %arg6[%swap3A_123, %swap3A_124, %swap3A_125], %gather3A_121 {strides = array<i32>} : memref<2x8x128xf32, #tpu.memory_space<vmem>>, vector<16xf32>,
      %gather3A_127 = tpu.vector_load_idx %arg5[%add3A_110, %get3A_9] : memref<24x4096xf32, #tpu.memory_space<vmem>>[vector<16xi32>, vector<16xi32>], vector<16xf32>,
      %swap3A_128 = arith.constant 0 : i32
      %swap3A_129 = arith.index_cast %rem3A_82 : i32 to index
      %swap3A_130 = arith.index_cast %swap3A_128 : i32 to index
      %swap3A_131 = arith.constant 48 : index
      %swap3A_132 = tpu.vector_load %arg6[%swap3A_129, %swap3A_130, %swap3A_131] {strides = array<i32>} : memref<2x8x128xf32, #tpu.memory_space<vmem>>, vector<16xf32>,
      tpu.vector_store %arg6[%swap3A_129, %swap3A_130, %swap3A_131], %gather3A_127 {strides = array<i32>} : memref<2x8x128xf32, #tpu.memory_space<vmem>>, vector<16xf32>,
      %gather3A_133 = tpu.vector_load_idx %arg5[%add3A_110, %get3A_11] : memref<24x4096xf32, #tpu.memory_space<vmem>>[vector<16xi32>, vector<16xi32>], vector<16xf32>,
      %swap3A_134 = arith.constant 0 : i32
      %swap3A_135 = arith.index_cast %rem3A_82 : i32 to index
      %swap3A_136 = arith.index_cast %swap3A_134 : i32 to index
      %swap3A_137 = arith.constant 64 : index
      %swap3A_138 = tpu.vector_load %arg6[%swap3A_135, %swap3A_136, %swap3A_137] {strides = array<i32>} : memref<2x8x128xf32, #tpu.memory_space<vmem>>, vector<16xf32>,
      tpu.vector_store %arg6[%swap3A_135, %swap3A_136, %swap3A_137], %gather3A_133 {strides = array<i32>} : memref<2x8x128xf32, #tpu.memory_space<vmem>>, vector<16xf32>,
      %gather3A_139 = tpu.vector_load_idx %arg5[%add3A_110, %get3A_13] : memref<24x4096xf32, #tpu.memory_space<vmem>>[vector<16xi32>, vector<16xi32>], vector<16xf32>,
      %swap3A_140 = arith.constant 0 : i32
      %swap3A_141 = arith.index_cast %rem3A_82 : i32 to index
      %swap3A_142 = arith.index_cast %swap3A_140 : i32 to index
      %swap3A_143 = arith.constant 80 : index
      %swap3A_144 = tpu.vector_load %arg6[%swap3A_141, %swap3A_142, %swap3A_143] {strides = array<i32>} : memref<2x8x128xf32, #tpu.memory_space<vmem>>, vector<16xf32>,
      tpu.vector_store %arg6[%swap3A_141, %swap3A_142, %swap3A_143], %gather3A_139 {strides = array<i32>} : memref<2x8x128xf32, #tpu.memory_space<vmem>>, vector<16xf32>,
      %gather3A_145 = tpu.vector_load_idx %arg5[%add3A_110, %get3A_15] : memref<24x4096xf32, #tpu.memory_space<vmem>>[vector<16xi32>, vector<16xi32>], vector<16xf32>,
      %swap3A_146 = arith.constant 0 : i32
      %swap3A_147 = arith.index_cast %rem3A_82 : i32 to index
      %swap3A_148 = arith.index_cast %swap3A_146 : i32 to index
      %swap3A_149 = arith.constant 96 : index
      %swap3A_150 = tpu.vector_load %arg6[%swap3A_147, %swap3A_148, %swap3A_149] {strides = array<i32>} : memref<2x8x128xf32, #tpu.memory_space<vmem>>, vector<16xf32>,
      tpu.vector_store %arg6[%swap3A_147, %swap3A_148, %swap3A_149], %gather3A_145 {strides = array<i32>} : memref<2x8x128xf32, #tpu.memory_space<vmem>>, vector<16xf32>,
      %gather3A_151 = tpu.vector_load_idx %arg5[%add3A_110, %get3A_17] : memref<24x4096xf32, #tpu.memory_space<vmem>>[vector<16xi32>, vector<16xi32>], vector<16xf32>,
      %swap3A_152 = arith.constant 0 : i32
      %swap3A_153 = arith.index_cast %rem3A_82 : i32 to index
      %swap3A_154 = arith.index_cast %swap3A_152 : i32 to index
      %swap3A_155 = arith.constant 112 : index
      %swap3A_156 = tpu.vector_load %arg6[%swap3A_153, %swap3A_154, %swap3A_155] {strides = array<i32>} : memref<2x8x128xf32, #tpu.memory_space<vmem>>, vector<16xf32>,
      tpu.vector_store %arg6[%swap3A_153, %swap3A_154, %swap3A_155], %gather3A_151 {strides = array<i32>} : memref<2x8x128xf32, #tpu.memory_space<vmem>>, vector<16xf32>,
      %broadcast_in_dim3A_157 = arith.constant 0 : i32
      %broadcast_in_dim3A_158 = vector.broadcast %broadcast_in_dim3A_157 : i32 to vector<16xi32>
      %mul3A_159 = arith.constant 8 : i32
      %mul3A_160 = arith.muli %rem3A_80, %mul3A_159 : i32
      %add3A_161 = arith.constant 1 : i32
      %add3A_162 = arith.addi %mul3A_160, %add3A_161 : i32
      %add3A_163 = vector.broadcast %add3A_162 : i32 to vector<16xi32>
      %add3A_164 = arith.addi %broadcast_in_dim3A_158, %add3A_163 : vector<16xi32>
      %gather3A_165 = tpu.vector_load_idx %arg5[%add3A_164, %get3A_3] : memref<24x4096xf32, #tpu.memory_space<vmem>>[vector<16xi32>, vector<16xi32>], vector<16xf32>,
      %swap3A_166 = arith.constant 1 : i32
      %swap3A_167 = arith.index_cast %rem3A_82 : i32 to index
      %swap3A_168 = arith.index_cast %swap3A_166 : i32 to index
      %swap3A_169 = arith.constant 0 : index
      %swap3A_170 = tpu.vector_load %arg6[%swap3A_167, %swap3A_168, %swap3A_169] {strides = array<i32>} : memref<2x8x128xf32, #tpu.memory_space<vmem>>, vector<16xf32>,
      tpu.vector_store %arg6[%swap3A_167, %swap3A_168, %swap3A_169], %gather3A_165 {strides = array<i32>} : memref<2x8x128xf32, #tpu.memory_space<vmem>>, vector<16xf32>,
      %gather3A_171 = tpu.vector_load_idx %arg5[%add3A_164, %get3A_5] : memref<24x4096xf32, #tpu.memory_space<vmem>>[vector<16xi32>, vector<16xi32>], vector<16xf32>,
      %swap3A_172 = arith.constant 1 : i32
      %swap3A_173 = arith.index_cast %rem3A_82 : i32 to index
      %swap3A_174 = arith.index_cast %swap3A_172 : i32 to index
      %swap3A_175 = arith.constant 16 : index
      %swap3A_176 = tpu.vector_load %arg6[%swap3A_173, %swap3A_174, %swap3A_175] {strides = array<i32>} : memref<2x8x128xf32, #tpu.memory_space<vmem>>, vector<16xf32>,
      tpu.vector_store %arg6[%swap3A_173, %swap3A_174, %swap3A_175], %gather3A_171 {strides = array<i32>} : memref<2x8x128xf32, #tpu.memory_space<vmem>>, vector<16xf32>,
      %gather3A_177 = tpu.vector_load_idx %arg5[%add3A_164, %get3A_7] : memref<24x4096xf32, #tpu.memory_space<vmem>>[vector<16xi32>, vector<16xi32>], vector<16xf32>,
      %swap3A_178 = arith.constant 1 : i32
      %swap3A_179 = arith.index_cast %rem3A_82 : i32 to index
      %swap3A_180 = arith.index_cast %swap3A_178 : i32 to index
      %swap3A_181 = arith.constant 32 : index
      %swap3A_182 = tpu.vector_load %arg6[%swap3A_179, %swap3A_180, %swap3A_181] {strides = array<i32>} : memref<2x8x128xf32, #tpu.memory_space<vmem>>, vector<16xf32>,
      tpu.vector_store %arg6[%swap3A_179, %swap3A_180, %swap3A_181], %gather3A_177 {strides = array<i32>} : memref<2x8x128xf32, #tpu.memory_space<vmem>>, vector<16xf32>,
      %gather3A_183 = tpu.vector_load_idx %arg5[%add3A_164, %get3A_9] : memref<24x4096xf32, #tpu.memory_space<vmem>>[vector<16xi32>, vector<16xi32>], vector<16xf32>,
      %swap3A_184 = arith.constant 1 : i32
      %swap3A_185 = arith.index_cast %rem3A_82 : i32 to index
      %swap3A_186 = arith.index_cast %swap3A_184 : i32 to index
      %swap3A_187 = arith.constant 48 : index
      %swap3A_188 = tpu.vector_load %arg6[%swap3A_185, %swap3A_186, %swap3A_187] {strides = array<i32>} : memref<2x8x128xf32, #tpu.memory_space<vmem>>, vector<16xf32>,
      tpu.vector_store %arg6[%swap3A_185, %swap3A_186, %swap3A_187], %gather3A_183 {strides = array<i32>} : memref<2x8x128xf32, #tpu.memory_space<vmem>>, vector<16xf32>,
      %gather3A_189 = tpu.vector_load_idx %arg5[%add3A_164, %get3A_11] : memref<24x4096xf32, #tpu.memory_space<vmem>>[vector<16xi32>, vector<16xi32>], vector<16xf32>,
      %swap3A_190 = arith.constant 1 : i32
      %swap3A_191 = arith.index_cast %rem3A_82 : i32 to index
      %swap3A_192 = arith.index_cast %swap3A_190 : i32 to index
      %swap3A_193 = arith.constant 64 : index
      %swap3A_194 = tpu.vector_load %arg6[%swap3A_191, %swap3A_192, %swap3A_193] {strides = array<i32>} : memref<2x8x128xf32, #tpu.memory_space<vmem>>, vector<16xf32>,
      tpu.vector_store %arg6[%swap3A_191, %swap3A_192, %swap3A_193], %gather3A_189 {strides = array<i32>} : memref<2x8x128xf32, #tpu.memory_space<vmem>>, vector<16xf32>,
      %gather3A_195 = tpu.vector_load_idx %arg5[%add3A_164, %get3A_13] : memref<24x4096xf32, #tpu.memory_space<vmem>>[vector<16xi32>, vector<16xi32>], vector<16xf32>,
      %swap3A_196 = arith.constant 1 : i32
      %swap3A_197 = arith.index_cast %rem3A_82 : i32 to index
      %swap3A_198 = arith.index_cast %swap3A_196 : i32 to index
      %swap3A_199 = arith.constant 80 : index
      %swap3A_200 = tpu.vector_load %arg6[%swap3A_197, %swap3A_198, %swap3A_199] {strides = array<i32>} : memref<2x8x128xf32, #tpu.memory_space<vmem>>, vector<16xf32>,
      tpu.vector_store %arg6[%swap3A_197, %swap3A_198, %swap3A_199], %gather3A_195 {strides = array<i32>} : memref<2x8x128xf32, #tpu.memory_space<vmem>>, vector<16xf32>,
      %gather3A_201 = tpu.vector_load_idx %arg5[%add3A_164, %get3A_15] : memref<24x4096xf32, #tpu.memory_space<vmem>>[vector<16xi32>, vector<16xi32>], vector<16xf32>,
      %swap3A_202 = arith.constant 1 : i32
      %swap3A_203 = arith.index_cast %rem3A_82 : i32 to index
      %swap3A_204 = arith.index_cast %swap3A_202 : i32 to index
      %swap3A_205 = arith.constant 96 : index
      %swap3A_206 = tpu.vector_load %arg6[%swap3A_203, %swap3A_204, %swap3A_205] {strides = array<i32>} : memref<2x8x128xf32, #tpu.memory_space<vmem>>, vector<16xf32>,
      tpu.vector_store %arg6[%swap3A_203, %swap3A_204, %swap3A_205], %gather3A_201 {strides = array<i32>} : memref<2x8x128xf32, #tpu.memory_space<vmem>>, vector<16xf32>,
      %gather3A_207 = tpu.vector_load_idx %arg5[%add3A_164, %get3A_17] : memref<24x4096xf32, #tpu.memory_space<vmem>>[vector<16xi32>, vector<16xi32>], vector<16xf32>,
      %swap3A_208 = arith.constant 1 : i32
      %swap3A_209 = arith.index_cast %rem3A_82 : i32 to index
      %swap3A_210 = arith.index_cast %swap3A_208 : i32 to index
      %swap3A_211 = arith.constant 112 : index
      %swap3A_212 = tpu.vector_load %arg6[%swap3A_209, %swap3A_210, %swap3A_211] {strides = array<i32>} : memref<2x8x128xf32, #tpu.memory_space<vmem>>, vector<16xf32>,
      tpu.vector_store %arg6[%swap3A_209, %swap3A_210, %swap3A_211], %gather3A_207 {strides = array<i32>} : memref<2x8x128xf32, #tpu.memory_space<vmem>>, vector<16xf32>,
      %broadcast_in_dim3A_213 = arith.constant 0 : i32
      %broadcast_in_dim3A_214 = vector.broadcast %broadcast_in_dim3A_213 : i32 to vector<16xi32>
      %mul3A_215 = arith.constant 8 : i32
      %mul3A_216 = arith.muli %rem3A_80, %mul3A_215 : i32
      %add3A_217 = arith.constant 2 : i32
      %add3A_218 = arith.addi %mul3A_216, %add3A_217 : i32
      %add3A_219 = vector.broadcast %add3A_218 : i32 to vector<16xi32>
      %add3A_220 = arith.addi %broadcast_in_dim3A_214, %add3A_219 : vector<16xi32>
      %gather3A_221 = tpu.vector_load_idx %arg5[%add3A_220, %get3A_3] : memref<24x4096xf32, #tpu.memory_space<vmem>>[vector<16xi32>, vector<16xi32>], vector<16xf32>,
      %swap3A_222 = arith.constant 2 : i32
      %swap3A_223 = arith.index_cast %rem3A_82 : i32 to index
      %swap3A_224 = arith.index_cast %swap3A_222 : i32 to index
      %swap3A_225 = arith.constant 0 : index
      %swap3A_226 = tpu.vector_load %arg6[%swap3A_223, %swap3A_224, %swap3A_225] {strides = array<i32>} : memref<2x8x128xf32, #tpu.memory_space<vmem>>, vector<16xf32>,
      tpu.vector_store %arg6[%swap3A_223, %swap3A_224, %swap3A_225], %gather3A_221 {strides = array<i32>} : memref<2x8x128xf32, #tpu.memory_space<vmem>>, vector<16xf32>,
      %gather3A_227 = tpu.vector_load_idx %arg5[%add3A_220, %get3A_5] : memref<24x4096xf32, #tpu.memory_space<vmem>>[vector<16xi32>, vector<16xi32>], vector<16xf32>,
      %swap3A_228 = arith.constant 2 : i32
      %swap3A_229 = arith.index_cast %rem3A_82 : i32 to index
      %swap3A_230 = arith.index_cast %swap3A_228 : i32 to index
      %swap3A_231 = arith.constant 16 : index
      %swap3A_232 = tpu.vector_load %arg6[%swap3A_229, %swap3A_230, %swap3A_231] {strides = array<i32>} : memref<2x8x128xf32, #tpu.memory_space<vmem>>, vector<16xf32>,
      tpu.vector_store %arg6[%swap3A_229, %swap3A_230, %swap3A_231], %gather3A_227 {strides = array<i32>} : memref<2x8x128xf32, #tpu.memory_space<vmem>>, vector<16xf32>,
      %gather3A_233 = tpu.vector_load_idx %arg5[%add3A_220, %get3A_7] : memref<24x4096xf32, #tpu.memory_space<vmem>>[vector<16xi32>, vector<16xi32>], vector<16xf32>,
      %swap3A_234 = arith.constant 2 : i32
      %swap3A_235 = arith.index_cast %rem3A_82 : i32 to index
      %swap3A_236 = arith.index_cast %swap3A_234 : i32 to index
      %swap3A_237 = arith.constant 32 : index
      %swap3A_238 = tpu.vector_load %arg6[%swap3A_235, %swap3A_236, %swap3A_237] {strides = array<i32>} : memref<2x8x128xf32, #tpu.memory_space<vmem>>, vector<16xf32>,
      tpu.vector_store %arg6[%swap3A_235, %swap3A_236, %swap3A_237], %gather3A_233 {strides = array<i32>} : memref<2x8x128xf32, #tpu.memory_space<vmem>>, vector<16xf32>,
      %gather3A_239 = tpu.vector_load_idx %arg5[%add3A_220, %get3A_9] : memref<24x4096xf32, #tpu.memory_space<vmem>>[vector<16xi32>, vector<16xi32>], vector<16xf32>,
      %swap3A_240 = arith.constant 2 : i32
      %swap3A_241 = arith.index_cast %rem3A_82 : i32 to index
      %swap3A_242 = arith.index_cast %swap3A_240 : i32 to index
      %swap3A_243 = arith.constant 48 : index
      %swap3A_244 = tpu.vector_load %arg6[%swap3A_241, %swap3A_242, %swap3A_243] {strides = array<i32>} : memref<2x8x128xf32, #tpu.memory_space<vmem>>, vector<16xf32>,
      tpu.vector_store %arg6[%swap3A_241, %swap3A_242, %swap3A_243], %gather3A_239 {strides = array<i32>} : memref<2x8x128xf32, #tpu.memory_space<vmem>>, vector<16xf32>,
      %gather3A_245 = tpu.vector_load_idx %arg5[%add3A_220, %get3A_11] : memref<24x4096xf32, #tpu.memory_space<vmem>>[vector<16xi32>, vector<16xi32>], vector<16xf32>,
      %swap3A_246 = arith.constant 2 : i32
      %swap3A_247 = arith.index_cast %rem3A_82 : i32 to index
      %swap3A_248 = arith.index_cast %swap3A_246 : i32 to index
      %swap3A_249 = arith.constant 64 : index
      %swap3A_250 = tpu.vector_load %arg6[%swap3A_247, %swap3A_248, %swap3A_249] {strides = array<i32>} : memref<2x8x128xf32, #tpu.memory_space<vmem>>, vector<16xf32>,
      tpu.vector_store %arg6[%swap3A_247, %swap3A_248, %swap3A_249], %gather3A_245 {strides = array<i32>} : memref<2x8x128xf32, #tpu.memory_space<vmem>>, vector<16xf32>,
      %gather3A_251 = tpu.vector_load_idx %arg5[%add3A_220, %get3A_13] : memref<24x4096xf32, #tpu.memory_space<vmem>>[vector<16xi32>, vector<16xi32>], vector<16xf32>,
      %swap3A_252 = arith.constant 2 : i32
      %swap3A_253 = arith.index_cast %rem3A_82 : i32 to index
      %swap3A_254 = arith.index_cast %swap3A_252 : i32 to index
      %swap3A_255 = arith.constant 80 : index
      %swap3A_256 = tpu.vector_load %arg6[%swap3A_253, %swap3A_254, %swap3A_255] {strides = array<i32>} : memref<2x8x128xf32, #tpu.memory_space<vmem>>, vector<16xf32>,
      tpu.vector_store %arg6[%swap3A_253, %swap3A_254, %swap3A_255], %gather3A_251 {strides = array<i32>} : memref<2x8x128xf32, #tpu.memory_space<vmem>>, vector<16xf32>,
      %gather3A_257 = tpu.vector_load_idx %arg5[%add3A_220, %get3A_15] : memref<24x4096xf32, #tpu.memory_space<vmem>>[vector<16xi32>, vector<16xi32>], vector<16xf32>,
      %swap3A_258 = arith.constant 2 : i32
      %swap3A_259 = arith.index_cast %rem3A_82 : i32 to index
      %swap3A_260 = arith.index_cast %swap3A_258 : i32 to index
      %swap3A_261 = arith.constant 96 : index
      %swap3A_262 = tpu.vector_load %arg6[%swap3A_259, %swap3A_260, %swap3A_261] {strides = array<i32>} : memref<2x8x128xf32, #tpu.memory_space<vmem>>, vector<16xf32>,
      tpu.vector_store %arg6[%swap3A_259, %swap3A_260, %swap3A_261], %gather3A_257 {strides = array<i32>} : memref<2x8x128xf32, #tpu.memory_space<vmem>>, vector<16xf32>,
      %gather3A_263 = tpu.vector_load_idx %arg5[%add3A_220, %get3A_17] : memref<24x4096xf32, #tpu.memory_space<vmem>>[vector<16xi32>, vector<16xi32>], vector<16xf32>,
      %swap3A_264 = arith.constant 2 : i32
      %swap3A_265 = arith.index_cast %rem3A_82 : i32 to index
      %swap3A_266 = arith.index_cast %swap3A_264 : i32 to index
      %swap3A_267 = arith.constant 112 : index
      %swap3A_268 = tpu.vector_load %arg6[%swap3A_265, %swap3A_266, %swap3A_267] {strides = array<i32>} : memref<2x8x128xf32, #tpu.memory_space<vmem>>, vector<16xf32>,
      tpu.vector_store %arg6[%swap3A_265, %swap3A_266, %swap3A_267], %gather3A_263 {strides = array<i32>} : memref<2x8x128xf32, #tpu.memory_space<vmem>>, vector<16xf32>,
      %broadcast_in_dim3A_269 = arith.constant 0 : i32
      %broadcast_in_dim3A_270 = vector.broadcast %broadcast_in_dim3A_269 : i32 to vector<16xi32>
      %mul3A_271 = arith.constant 8 : i32
      %mul3A_272 = arith.muli %rem3A_80, %mul3A_271 : i32
      %add3A_273 = arith.constant 3 : i32
      %add3A_274 = arith.addi %mul3A_272, %add3A_273 : i32
      %add3A_275 = vector.broadcast %add3A_274 : i32 to vector<16xi32>
      %add3A_276 = arith.addi %broadcast_in_dim3A_270, %add3A_275 : vector<16xi32>
      %gather3A_277 = tpu.vector_load_idx %arg5[%add3A_276, %get3A_3] : memref<24x4096xf32, #tpu.memory_space<vmem>>[vector<16xi32>, vector<16xi32>], vector<16xf32>,
      %swap3A_278 = arith.constant 3 : i32
      %swap3A_279 = arith.index_cast %rem3A_82 : i32 to index
      %swap3A_280 = arith.index_cast %swap3A_278 : i32 to index
      %swap3A_281 = arith.constant 0 : index
      %swap3A_282 = tpu.vector_load %arg6[%swap3A_279, %swap3A_280, %swap3A_281] {strides = array<i32>} : memref<2x8x128xf32, #tpu.memory_space<vmem>>, vector<16xf32>,
      tpu.vector_store %arg6[%swap3A_279, %swap3A_280, %swap3A_281], %gather3A_277 {strides = array<i32>} : memref<2x8x128xf32, #tpu.memory_space<vmem>>, vector<16xf32>,
      %gather3A_283 = tpu.vector_load_idx %arg5[%add3A_276, %get3A_5] : memref<24x4096xf32, #tpu.memory_space<vmem>>[vector<16xi32>, vector<16xi32>], vector<16xf32>,
      %swap3A_284 = arith.constant 3 : i32
      %swap3A_285 = arith.index_cast %rem3A_82 : i32 to index
      %swap3A_286 = arith.index_cast %swap3A_284 : i32 to index
      %swap3A_287 = arith.constant 16 : index
      %swap3A_288 = tpu.vector_load %arg6[%swap3A_285, %swap3A_286, %swap3A_287] {strides = array<i32>} : memref<2x8x128xf32, #tpu.memory_space<vmem>>, vector<16xf32>,
      tpu.vector_store %arg6[%swap3A_285, %swap3A_286, %swap3A_287], %gather3A_283 {strides = array<i32>} : memref<2x8x128xf32, #tpu.memory_space<vmem>>, vector<16xf32>,
      %gather3A_289 = tpu.vector_load_idx %arg5[%add3A_276, %get3A_7] : memref<24x4096xf32, #tpu.memory_space<vmem>>[vector<16xi32>, vector<16xi32>], vector<16xf32>,
      %swap3A_290 = arith.constant 3 : i32
      %swap3A_291 = arith.index_cast %rem3A_82 : i32 to index
      %swap3A_292 = arith.index_cast %swap3A_290 : i32 to index
      %swap3A_293 = arith.constant 32 : index
      %swap3A_294 = tpu.vector_load %arg6[%swap3A_291, %swap3A_292, %swap3A_293] {strides = array<i32>} : memref<2x8x128xf32, #tpu.memory_space<vmem>>, vector<16xf32>,
      tpu.vector_store %arg6[%swap3A_291, %swap3A_292, %swap3A_293], %gather3A_289 {strides = array<i32>} : memref<2x8x128xf32, #tpu.memory_space<vmem>>, vector<16xf32>,
      %gather3A_295 = tpu.vector_load_idx %arg5[%add3A_276, %get3A_9] : memref<24x4096xf32, #tpu.memory_space<vmem>>[vector<16xi32>, vector<16xi32>], vector<16xf32>,
      %swap3A_296 = arith.constant 3 : i32
      %swap3A_297 = arith.index_cast %rem3A_82 : i32 to index
      %swap3A_298 = arith.index_cast %swap3A_296 : i32 to index
      %swap3A_299 = arith.constant 48 : index
      %swap3A_300 = tpu.vector_load %arg6[%swap3A_297, %swap3A_298, %swap3A_299] {strides = array<i32>} : memref<2x8x128xf32, #tpu.memory_space<vmem>>, vector<16xf32>,
      tpu.vector_store %arg6[%swap3A_297, %swap3A_298, %swap3A_299], %gather3A_295 {strides = array<i32>} : memref<2x8x128xf32, #tpu.memory_space<vmem>>, vector<16xf32>,
      %gather3A_301 = tpu.vector_load_idx %arg5[%add3A_276, %get3A_11] : memref<24x4096xf32, #tpu.memory_space<vmem>>[vector<16xi32>, vector<16xi32>], vector<16xf32>,
      %swap3A_302 = arith.constant 3 : i32
      %swap3A_303 = arith.index_cast %rem3A_82 : i32 to index
      %swap3A_304 = arith.index_cast %swap3A_302 : i32 to index
      %swap3A_305 = arith.constant 64 : index
      %swap3A_306 = tpu.vector_load %arg6[%swap3A_303, %swap3A_304, %swap3A_305] {strides = array<i32>} : memref<2x8x128xf32, #tpu.memory_space<vmem>>, vector<16xf32>,
      tpu.vector_store %arg6[%swap3A_303, %swap3A_304, %swap3A_305], %gather3A_301 {strides = array<i32>} : memref<2x8x128xf32, #tpu.memory_space<vmem>>, vector<16xf32>,
      %gather3A_307 = tpu.vector_load_idx %arg5[%add3A_276, %get3A_13] : memref<24x4096xf32, #tpu.memory_space<vmem>>[vector<16xi32>, vector<16xi32>], vector<16xf32>,
      %swap3A_308 = arith.constant 3 : i32
      %swap3A_309 = arith.index_cast %rem3A_82 : i32 to index
      %swap3A_310 = arith.index_cast %swap3A_308 : i32 to index
      %swap3A_311 = arith.constant 80 : index
      %swap3A_312 = tpu.vector_load %arg6[%swap3A_309, %swap3A_310, %swap3A_311] {strides = array<i32>} : memref<2x8x128xf32, #tpu.memory_space<vmem>>, vector<16xf32>,
      tpu.vector_store %arg6[%swap3A_309, %swap3A_310, %swap3A_311], %gather3A_307 {strides = array<i32>} : memref<2x8x128xf32, #tpu.memory_space<vmem>>, vector<16xf32>,
      %gather3A_313 = tpu.vector_load_idx %arg5[%add3A_276, %get3A_15] : memref<24x4096xf32, #tpu.memory_space<vmem>>[vector<16xi32>, vector<16xi32>], vector<16xf32>,
      %swap3A_314 = arith.constant 3 : i32
      %swap3A_315 = arith.index_cast %rem3A_82 : i32 to index
      %swap3A_316 = arith.index_cast %swap3A_314 : i32 to index
      %swap3A_317 = arith.constant 96 : index
      %swap3A_318 = tpu.vector_load %arg6[%swap3A_315, %swap3A_316, %swap3A_317] {strides = array<i32>} : memref<2x8x128xf32, #tpu.memory_space<vmem>>, vector<16xf32>,
      tpu.vector_store %arg6[%swap3A_315, %swap3A_316, %swap3A_317], %gather3A_313 {strides = array<i32>} : memref<2x8x128xf32, #tpu.memory_space<vmem>>, vector<16xf32>,
      %gather3A_319 = tpu.vector_load_idx %arg5[%add3A_276, %get3A_17] : memref<24x4096xf32, #tpu.memory_space<vmem>>[vector<16xi32>, vector<16xi32>], vector<16xf32>,
      %swap3A_320 = arith.constant 3 : i32
      %swap3A_321 = arith.index_cast %rem3A_82 : i32 to index
      %swap3A_322 = arith.index_cast %swap3A_320 : i32 to index
      %swap3A_323 = arith.constant 112 : index
      %swap3A_324 = tpu.vector_load %arg6[%swap3A_321, %swap3A_322, %swap3A_323] {strides = array<i32>} : memref<2x8x128xf32, #tpu.memory_space<vmem>>, vector<16xf32>,
      tpu.vector_store %arg6[%swap3A_321, %swap3A_322, %swap3A_323], %gather3A_319 {strides = array<i32>} : memref<2x8x128xf32, #tpu.memory_space<vmem>>, vector<16xf32>,
      %broadcast_in_dim3A_325 = arith.constant 0 : i32
      %broadcast_in_dim3A_326 = vector.broadcast %broadcast_in_dim3A_325 : i32 to vector<16xi32>
      %mul3A_327 = arith.constant 8 : i32
      %mul3A_328 = arith.muli %rem3A_80, %mul3A_327 : i32
      %add3A_329 = arith.constant 4 : i32
      %add3A_330 = arith.addi %mul3A_328, %add3A_329 : i32
      %add3A_331 = vector.broadcast %add3A_330 : i32 to vector<16xi32>
      %add3A_332 = arith.addi %broadcast_in_dim3A_326, %add3A_331 : vector<16xi32>
      %gather3A_333 = tpu.vector_load_idx %arg5[%add3A_332, %get3A_3] : memref<24x4096xf32, #tpu.memory_space<vmem>>[vector<16xi32>, vector<16xi32>], vector<16xf32>,
      %swap3A_334 = arith.constant 4 : i32
      %swap3A_335 = arith.index_cast %rem3A_82 : i32 to index
      %swap3A_336 = arith.index_cast %swap3A_334 : i32 to index
      %swap3A_337 = arith.constant 0 : index
      %swap3A_338 = tpu.vector_load %arg6[%swap3A_335, %swap3A_336, %swap3A_337] {strides = array<i32>} : memref<2x8x128xf32, #tpu.memory_space<vmem>>, vector<16xf32>,
      tpu.vector_store %arg6[%swap3A_335, %swap3A_336, %swap3A_337], %gather3A_333 {strides = array<i32>} : memref<2x8x128xf32, #tpu.memory_space<vmem>>, vector<16xf32>,
      %gather3A_339 = tpu.vector_load_idx %arg5[%add3A_332, %get3A_5] : memref<24x4096xf32, #tpu.memory_space<vmem>>[vector<16xi32>, vector<16xi32>], vector<16xf32>,
      %swap3A_340 = arith.constant 4 : i32
      %swap3A_341 = arith.index_cast %rem3A_82 : i32 to index
      %swap3A_342 = arith.index_cast %swap3A_340 : i32 to index
      %swap3A_343 = arith.constant 16 : index
      %swap3A_344 = tpu.vector_load %arg6[%swap3A_341, %swap3A_342, %swap3A_343] {strides = array<i32>} : memref<2x8x128xf32, #tpu.memory_space<vmem>>, vector<16xf32>,
      tpu.vector_store %arg6[%swap3A_341, %swap3A_342, %swap3A_343], %gather3A_339 {strides = array<i32>} : memref<2x8x128xf32, #tpu.memory_space<vmem>>, vector<16xf32>,
      %gather3A_345 = tpu.vector_load_idx %arg5[%add3A_332, %get3A_7] : memref<24x4096xf32, #tpu.memory_space<vmem>>[vector<16xi32>, vector<16xi32>], vector<16xf32>,
      %swap3A_346 = arith.constant 4 : i32
      %swap3A_347 = arith.index_cast %rem3A_82 : i32 to index
      %swap3A_348 = arith.index_cast %swap3A_346 : i32 to index
      %swap3A_349 = arith.constant 32 : index
      %swap3A_350 = tpu.vector_load %arg6[%swap3A_347, %swap3A_348, %swap3A_349] {strides = array<i32>} : memref<2x8x128xf32, #tpu.memory_space<vmem>>, vector<16xf32>,
      tpu.vector_store %arg6[%swap3A_347, %swap3A_348, %swap3A_349], %gather3A_345 {strides = array<i32>} : memref<2x8x128xf32, #tpu.memory_space<vmem>>, vector<16xf32>,
      %gather3A_351 = tpu.vector_load_idx %arg5[%add3A_332, %get3A_9] : memref<24x4096xf32, #tpu.memory_space<vmem>>[vector<16xi32>, vector<16xi32>], vector<16xf32>,
      %swap3A_352 = arith.constant 4 : i32
      %swap3A_353 = arith.index_cast %rem3A_82 : i32 to index
      %swap3A_354 = arith.index_cast %swap3A_352 : i32 to index
      %swap3A_355 = arith.constant 48 : index
      %swap3A_356 = tpu.vector_load %arg6[%swap3A_353, %swap3A_354, %swap3A_355] {strides = array<i32>} : memref<2x8x128xf32, #tpu.memory_space<vmem>>, vector<16xf32>,
      tpu.vector_store %arg6[%swap3A_353, %swap3A_354, %swap3A_355], %gather3A_351 {strides = array<i32>} : memref<2x8x128xf32, #tpu.memory_space<vmem>>, vector<16xf32>,
      %gather3A_357 = tpu.vector_load_idx %arg5[%add3A_332, %get3A_11] : memref<24x4096xf32, #tpu.memory_space<vmem>>[vector<16xi32>, vector<16xi32>], vector<16xf32>,
      %swap3A_358 = arith.constant 4 : i32
      %swap3A_359 = arith.index_cast %rem3A_82 : i32 to index
      %swap3A_360 = arith.index_cast %swap3A_358 : i32 to index
      %swap3A_361 = arith.constant 64 : index
      %swap3A_362 = tpu.vector_load %arg6[%swap3A_359, %swap3A_360, %swap3A_361] {strides = array<i32>} : memref<2x8x128xf32, #tpu.memory_space<vmem>>, vector<16xf32>,
      tpu.vector_store %arg6[%swap3A_359, %swap3A_360, %swap3A_361], %gather3A_357 {strides = array<i32>} : memref<2x8x128xf32, #tpu.memory_space<vmem>>, vector<16xf32>,
      %gather3A_363 = tpu.vector_load_idx %arg5[%add3A_332, %get3A_13] : memref<24x4096xf32, #tpu.memory_space<vmem>>[vector<16xi32>, vector<16xi32>], vector<16xf32>,
      %swap3A_364 = arith.constant 4 : i32
      %swap3A_365 = arith.index_cast %rem3A_82 : i32 to index
      %swap3A_366 = arith.index_cast %swap3A_364 : i32 to index
      %swap3A_367 = arith.constant 80 : index
      %swap3A_368 = tpu.vector_load %arg6[%swap3A_365, %swap3A_366, %swap3A_367] {strides = array<i32>} : memref<2x8x128xf32, #tpu.memory_space<vmem>>, vector<16xf32>,
      tpu.vector_store %arg6[%swap3A_365, %swap3A_366, %swap3A_367], %gather3A_363 {strides = array<i32>} : memref<2x8x128xf32, #tpu.memory_space<vmem>>, vector<16xf32>,
      %gather3A_369 = tpu.vector_load_idx %arg5[%add3A_332, %get3A_15] : memref<24x4096xf32, #tpu.memory_space<vmem>>[vector<16xi32>, vector<16xi32>], vector<16xf32>,
      %swap3A_370 = arith.constant 4 : i32
      %swap3A_371 = arith.index_cast %rem3A_82 : i32 to index
      %swap3A_372 = arith.index_cast %swap3A_370 : i32 to index
      %swap3A_373 = arith.constant 96 : index
      %swap3A_374 = tpu.vector_load %arg6[%swap3A_371, %swap3A_372, %swap3A_373] {strides = array<i32>} : memref<2x8x128xf32, #tpu.memory_space<vmem>>, vector<16xf32>,
      tpu.vector_store %arg6[%swap3A_371, %swap3A_372, %swap3A_373], %gather3A_369 {strides = array<i32>} : memref<2x8x128xf32, #tpu.memory_space<vmem>>, vector<16xf32>,
      %gather3A_375 = tpu.vector_load_idx %arg5[%add3A_332, %get3A_17] : memref<24x4096xf32, #tpu.memory_space<vmem>>[vector<16xi32>, vector<16xi32>], vector<16xf32>,
      %swap3A_376 = arith.constant 4 : i32
      %swap3A_377 = arith.index_cast %rem3A_82 : i32 to index
      %swap3A_378 = arith.index_cast %swap3A_376 : i32 to index
      %swap3A_379 = arith.constant 112 : index
      %swap3A_380 = tpu.vector_load %arg6[%swap3A_377, %swap3A_378, %swap3A_379] {strides = array<i32>} : memref<2x8x128xf32, #tpu.memory_space<vmem>>, vector<16xf32>,
      tpu.vector_store %arg6[%swap3A_377, %swap3A_378, %swap3A_379], %gather3A_375 {strides = array<i32>} : memref<2x8x128xf32, #tpu.memory_space<vmem>>, vector<16xf32>,
      %broadcast_in_dim3A_381 = arith.constant 0 : i32
      %broadcast_in_dim3A_382 = vector.broadcast %broadcast_in_dim3A_381 : i32 to vector<16xi32>
      %mul3A_383 = arith.constant 8 : i32
      %mul3A_384 = arith.muli %rem3A_80, %mul3A_383 : i32
      %add3A_385 = arith.constant 5 : i32
      %add3A_386 = arith.addi %mul3A_384, %add3A_385 : i32
      %add3A_387 = vector.broadcast %add3A_386 : i32 to vector<16xi32>
      %add3A_388 = arith.addi %broadcast_in_dim3A_382, %add3A_387 : vector<16xi32>
      %gather3A_389 = tpu.vector_load_idx %arg5[%add3A_388, %get3A_3] : memref<24x4096xf32, #tpu.memory_space<vmem>>[vector<16xi32>, vector<16xi32>], vector<16xf32>,
      %swap3A_390 = arith.constant 5 : i32
      %swap3A_391 = arith.index_cast %rem3A_82 : i32 to index
      %swap3A_392 = arith.index_cast %swap3A_390 : i32 to index
      %swap3A_393 = arith.constant 0 : index
      %swap3A_394 = tpu.vector_load %arg6[%swap3A_391, %swap3A_392, %swap3A_393] {strides = array<i32>} : memref<2x8x128xf32, #tpu.memory_space<vmem>>, vector<16xf32>,
      tpu.vector_store %arg6[%swap3A_391, %swap3A_392, %swap3A_393], %gather3A_389 {strides = array<i32>} : memref<2x8x128xf32, #tpu.memory_space<vmem>>, vector<16xf32>,
      %gather3A_395 = tpu.vector_load_idx %arg5[%add3A_388, %get3A_5] : memref<24x4096xf32, #tpu.memory_space<vmem>>[vector<16xi32>, vector<16xi32>], vector<16xf32>,
      %swap3A_396 = arith.constant 5 : i32
      %swap3A_397 = arith.index_cast %rem3A_82 : i32 to index
      %swap3A_398 = arith.index_cast %swap3A_396 : i32 to index
      %swap3A_399 = arith.constant 16 : index
      %swap3A_400 = tpu.vector_load %arg6[%swap3A_397, %swap3A_398, %swap3A_399] {strides = array<i32>} : memref<2x8x128xf32, #tpu.memory_space<vmem>>, vector<16xf32>,
      tpu.vector_store %arg6[%swap3A_397, %swap3A_398, %swap3A_399], %gather3A_395 {strides = array<i32>} : memref<2x8x128xf32, #tpu.memory_space<vmem>>, vector<16xf32>,
      %gather3A_401 = tpu.vector_load_idx %arg5[%add3A_388, %get3A_7] : memref<24x4096xf32, #tpu.memory_space<vmem>>[vector<16xi32>, vector<16xi32>], vector<16xf32>,
      %swap3A_402 = arith.constant 5 : i32
      %swap3A_403 = arith.index_cast %rem3A_82 : i32 to index
      %swap3A_404 = arith.index_cast %swap3A_402 : i32 to index
      %swap3A_405 = arith.constant 32 : index
      %swap3A_406 = tpu.vector_load %arg6[%swap3A_403, %swap3A_404, %swap3A_405] {strides = array<i32>} : memref<2x8x128xf32, #tpu.memory_space<vmem>>, vector<16xf32>,
      tpu.vector_store %arg6[%swap3A_403, %swap3A_404, %swap3A_405], %gather3A_401 {strides = array<i32>} : memref<2x8x128xf32, #tpu.memory_space<vmem>>, vector<16xf32>,
      %gather3A_407 = tpu.vector_load_idx %arg5[%add3A_388, %get3A_9] : memref<24x4096xf32, #tpu.memory_space<vmem>>[vector<16xi32>, vector<16xi32>], vector<16xf32>,
      %swap3A_408 = arith.constant 5 : i32
      %swap3A_409 = arith.index_cast %rem3A_82 : i32 to index
      %swap3A_410 = arith.index_cast %swap3A_408 : i32 to index
      %swap3A_411 = arith.constant 48 : index
      %swap3A_412 = tpu.vector_load %arg6[%swap3A_409, %swap3A_410, %swap3A_411] {strides = array<i32>} : memref<2x8x128xf32, #tpu.memory_space<vmem>>, vector<16xf32>,
      tpu.vector_store %arg6[%swap3A_409, %swap3A_410, %swap3A_411], %gather3A_407 {strides = array<i32>} : memref<2x8x128xf32, #tpu.memory_space<vmem>>, vector<16xf32>,
      %gather3A_413 = tpu.vector_load_idx %arg5[%add3A_388, %get3A_11] : memref<24x4096xf32, #tpu.memory_space<vmem>>[vector<16xi32>, vector<16xi32>], vector<16xf32>,
      %swap3A_414 = arith.constant 5 : i32
      %swap3A_415 = arith.index_cast %rem3A_82 : i32 to index
      %swap3A_416 = arith.index_cast %swap3A_414 : i32 to index
      %swap3A_417 = arith.constant 64 : index
      %swap3A_418 = tpu.vector_load %arg6[%swap3A_415, %swap3A_416, %swap3A_417] {strides = array<i32>} : memref<2x8x128xf32, #tpu.memory_space<vmem>>, vector<16xf32>,
      tpu.vector_store %arg6[%swap3A_415, %swap3A_416, %swap3A_417], %gather3A_413 {strides = array<i32>} : memref<2x8x128xf32, #tpu.memory_space<vmem>>, vector<16xf32>,
      %gather3A_419 = tpu.vector_load_idx %arg5[%add3A_388, %get3A_13] : memref<24x4096xf32, #tpu.memory_space<vmem>>[vector<16xi32>, vector<16xi32>], vector<16xf32>,
      %swap3A_420 = arith.constant 5 : i32
      %swap3A_421 = arith.index_cast %rem3A_82 : i32 to index
      %swap3A_422 = arith.index_cast %swap3A_420 : i32 to index
      %swap3A_423 = arith.constant 80 : index
      %swap3A_424 = tpu.vector_load %arg6[%swap3A_421, %swap3A_422, %swap3A_423] {strides = array<i32>} : memref<2x8x128xf32, #tpu.memory_space<vmem>>, vector<16xf32>,
      tpu.vector_store %arg6[%swap3A_421, %swap3A_422, %swap3A_423], %gather3A_419 {strides = array<i32>} : memref<2x8x128xf32, #tpu.memory_space<vmem>>, vector<16xf32>,
      %gather3A_425 = tpu.vector_load_idx %arg5[%add3A_388, %get3A_15] : memref<24x4096xf32, #tpu.memory_space<vmem>>[vector<16xi32>, vector<16xi32>], vector<16xf32>,
      %swap3A_426 = arith.constant 5 : i32
      %swap3A_427 = arith.index_cast %rem3A_82 : i32 to index
      %swap3A_428 = arith.index_cast %swap3A_426 : i32 to index
      %swap3A_429 = arith.constant 96 : index
      %swap3A_430 = tpu.vector_load %arg6[%swap3A_427, %swap3A_428, %swap3A_429] {strides = array<i32>} : memref<2x8x128xf32, #tpu.memory_space<vmem>>, vector<16xf32>,
      tpu.vector_store %arg6[%swap3A_427, %swap3A_428, %swap3A_429], %gather3A_425 {strides = array<i32>} : memref<2x8x128xf32, #tpu.memory_space<vmem>>, vector<16xf32>,
      %gather3A_431 = tpu.vector_load_idx %arg5[%add3A_388, %get3A_17] : memref<24x4096xf32, #tpu.memory_space<vmem>>[vector<16xi32>, vector<16xi32>], vector<16xf32>,
      %swap3A_432 = arith.constant 5 : i32
      %swap3A_433 = arith.index_cast %rem3A_82 : i32 to index
      %swap3A_434 = arith.index_cast %swap3A_432 : i32 to index
      %swap3A_435 = arith.constant 112 : index
      %swap3A_436 = tpu.vector_load %arg6[%swap3A_433, %swap3A_434, %swap3A_435] {strides = array<i32>} : memref<2x8x128xf32, #tpu.memory_space<vmem>>, vector<16xf32>,
      tpu.vector_store %arg6[%swap3A_433, %swap3A_434, %swap3A_435], %gather3A_431 {strides = array<i32>} : memref<2x8x128xf32, #tpu.memory_space<vmem>>, vector<16xf32>,
      %broadcast_in_dim3A_437 = arith.constant 0 : i32
      %broadcast_in_dim3A_438 = vector.broadcast %broadcast_in_dim3A_437 : i32 to vector<16xi32>
      %mul3A_439 = arith.constant 8 : i32
      %mul3A_440 = arith.muli %rem3A_80, %mul3A_439 : i32
      %add3A_441 = arith.constant 6 : i32
      %add3A_442 = arith.addi %mul3A_440, %add3A_441 : i32
      %add3A_443 = vector.broadcast %add3A_442 : i32 to vector<16xi32>
      %add3A_444 = arith.addi %broadcast_in_dim3A_438, %add3A_443 : vector<16xi32>
      %gather3A_445 = tpu.vector_load_idx %arg5[%add3A_444, %get3A_3] : memref<24x4096xf32, #tpu.memory_space<vmem>>[vector<16xi32>, vector<16xi32>], vector<16xf32>,
      %swap3A_446 = arith.constant 6 : i32
      %swap3A_447 = arith.index_cast %rem3A_82 : i32 to index
      %swap3A_448 = arith.index_cast %swap3A_446 : i32 to index
      %swap3A_449 = arith.constant 0 : index
      %swap3A_450 = tpu.vector_load %arg6[%swap3A_447, %swap3A_448, %swap3A_449] {strides = array<i32>} : memref<2x8x128xf32, #tpu.memory_space<vmem>>, vector<16xf32>,
      tpu.vector_store %arg6[%swap3A_447, %swap3A_448, %swap3A_449], %gather3A_445 {strides = array<i32>} : memref<2x8x128xf32, #tpu.memory_space<vmem>>, vector<16xf32>,
      %gather3A_451 = tpu.vector_load_idx %arg5[%add3A_444, %get3A_5] : memref<24x4096xf32, #tpu.memory_space<vmem>>[vector<16xi32>, vector<16xi32>], vector<16xf32>,
      %swap3A_452 = arith.constant 6 : i32
      %swap3A_453 = arith.index_cast %rem3A_82 : i32 to index
      %swap3A_454 = arith.index_cast %swap3A_452 : i32 to index
      %swap3A_455 = arith.constant 16 : index
      %swap3A_456 = tpu.vector_load %arg6[%swap3A_453, %swap3A_454, %swap3A_455] {strides = array<i32>} : memref<2x8x128xf32, #tpu.memory_space<vmem>>, vector<16xf32>,
      tpu.vector_store %arg6[%swap3A_453, %swap3A_454, %swap3A_455], %gather3A_451 {strides = array<i32>} : memref<2x8x128xf32, #tpu.memory_space<vmem>>, vector<16xf32>,
      %gather3A_457 = tpu.vector_load_idx %arg5[%add3A_444, %get3A_7] : memref<24x4096xf32, #tpu.memory_space<vmem>>[vector<16xi32>, vector<16xi32>], vector<16xf32>,
      %swap3A_458 = arith.constant 6 : i32
      %swap3A_459 = arith.index_cast %rem3A_82 : i32 to index
      %swap3A_460 = arith.index_cast %swap3A_458 : i32 to index
      %swap3A_461 = arith.constant 32 : index
      %swap3A_462 = tpu.vector_load %arg6[%swap3A_459, %swap3A_460, %swap3A_461] {strides = array<i32>} : memref<2x8x128xf32, #tpu.memory_space<vmem>>, vector<16xf32>,
      tpu.vector_store %arg6[%swap3A_459, %swap3A_460, %swap3A_461], %gather3A_457 {strides = array<i32>} : memref<2x8x128xf32, #tpu.memory_space<vmem>>, vector<16xf32>,
      %gather3A_463 = tpu.vector_load_idx %arg5[%add3A_444, %get3A_9] : memref<24x4096xf32, #tpu.memory_space<vmem>>[vector<16xi32>, vector<16xi32>], vector<16xf32>,
      %swap3A_464 = arith.constant 6 : i32
      %swap3A_465 = arith.index_cast %rem3A_82 : i32 to index
      %swap3A_466 = arith.index_cast %swap3A_464 : i32 to index
      %swap3A_467 = arith.constant 48 : index
      %swap3A_468 = tpu.vector_load %arg6[%swap3A_465, %swap3A_466, %swap3A_467] {strides = array<i32>} : memref<2x8x128xf32, #tpu.memory_space<vmem>>, vector<16xf32>,
      tpu.vector_store %arg6[%swap3A_465, %swap3A_466, %swap3A_467], %gather3A_463 {strides = array<i32>} : memref<2x8x128xf32, #tpu.memory_space<vmem>>, vector<16xf32>,
      %gather3A_469 = tpu.vector_load_idx %arg5[%add3A_444, %get3A_11] : memref<24x4096xf32, #tpu.memory_space<vmem>>[vector<16xi32>, vector<16xi32>], vector<16xf32>,
      %swap3A_470 = arith.constant 6 : i32
      %swap3A_471 = arith.index_cast %rem3A_82 : i32 to index
      %swap3A_472 = arith.index_cast %swap3A_470 : i32 to index
      %swap3A_473 = arith.constant 64 : index
      %swap3A_474 = tpu.vector_load %arg6[%swap3A_471, %swap3A_472, %swap3A_473] {strides = array<i32>} : memref<2x8x128xf32, #tpu.memory_space<vmem>>, vector<16xf32>,
      tpu.vector_store %arg6[%swap3A_471, %swap3A_472, %swap3A_473], %gather3A_469 {strides = array<i32>} : memref<2x8x128xf32, #tpu.memory_space<vmem>>, vector<16xf32>,
      %gather3A_475 = tpu.vector_load_idx %arg5[%add3A_444, %get3A_13] : memref<24x4096xf32, #tpu.memory_space<vmem>>[vector<16xi32>, vector<16xi32>], vector<16xf32>,
      %swap3A_476 = arith.constant 6 : i32
      %swap3A_477 = arith.index_cast %rem3A_82 : i32 to index
      %swap3A_478 = arith.index_cast %swap3A_476 : i32 to index
      %swap3A_479 = arith.constant 80 : index
      %swap3A_480 = tpu.vector_load %arg6[%swap3A_477, %swap3A_478, %swap3A_479] {strides = array<i32>} : memref<2x8x128xf32, #tpu.memory_space<vmem>>, vector<16xf32>,
      tpu.vector_store %arg6[%swap3A_477, %swap3A_478, %swap3A_479], %gather3A_475 {strides = array<i32>} : memref<2x8x128xf32, #tpu.memory_space<vmem>>, vector<16xf32>,
      %gather3A_481 = tpu.vector_load_idx %arg5[%add3A_444, %get3A_15] : memref<24x4096xf32, #tpu.memory_space<vmem>>[vector<16xi32>, vector<16xi32>], vector<16xf32>,
      %swap3A_482 = arith.constant 6 : i32
      %swap3A_483 = arith.index_cast %rem3A_82 : i32 to index
      %swap3A_484 = arith.index_cast %swap3A_482 : i32 to index
      %swap3A_485 = arith.constant 96 : index
      %swap3A_486 = tpu.vector_load %arg6[%swap3A_483, %swap3A_484, %swap3A_485] {strides = array<i32>} : memref<2x8x128xf32, #tpu.memory_space<vmem>>, vector<16xf32>,
      tpu.vector_store %arg6[%swap3A_483, %swap3A_484, %swap3A_485], %gather3A_481 {strides = array<i32>} : memref<2x8x128xf32, #tpu.memory_space<vmem>>, vector<16xf32>,
      %gather3A_487 = tpu.vector_load_idx %arg5[%add3A_444, %get3A_17] : memref<24x4096xf32, #tpu.memory_space<vmem>>[vector<16xi32>, vector<16xi32>], vector<16xf32>,
      %swap3A_488 = arith.constant 6 : i32
      %swap3A_489 = arith.index_cast %rem3A_82 : i32 to index
      %swap3A_490 = arith.index_cast %swap3A_488 : i32 to index
      %swap3A_491 = arith.constant 112 : index
      %swap3A_492 = tpu.vector_load %arg6[%swap3A_489, %swap3A_490, %swap3A_491] {strides = array<i32>} : memref<2x8x128xf32, #tpu.memory_space<vmem>>, vector<16xf32>,
      tpu.vector_store %arg6[%swap3A_489, %swap3A_490, %swap3A_491], %gather3A_487 {strides = array<i32>} : memref<2x8x128xf32, #tpu.memory_space<vmem>>, vector<16xf32>,
      %broadcast_in_dim3A_493 = arith.constant 0 : i32
      %broadcast_in_dim3A_494 = vector.broadcast %broadcast_in_dim3A_493 : i32 to vector<16xi32>
      %mul3A_495 = arith.constant 8 : i32
      %mul3A_496 = arith.muli %rem3A_80, %mul3A_495 : i32
      %add3A_497 = arith.constant 7 : i32
      %add3A_498 = arith.addi %mul3A_496, %add3A_497 : i32
      %add3A_499 = vector.broadcast %add3A_498 : i32 to vector<16xi32>
      %add3A_500 = arith.addi %broadcast_in_dim3A_494, %add3A_499 : vector<16xi32>
      %gather3A_501 = tpu.vector_load_idx %arg5[%add3A_500, %get3A_3] : memref<24x4096xf32, #tpu.memory_space<vmem>>[vector<16xi32>, vector<16xi32>], vector<16xf32>,
      %swap3A_502 = arith.constant 7 : i32
      %swap3A_503 = arith.index_cast %rem3A_82 : i32 to index
      %swap3A_504 = arith.index_cast %swap3A_502 : i32 to index
      %swap3A_505 = arith.constant 0 : index
      %swap3A_506 = tpu.vector_load %arg6[%swap3A_503, %swap3A_504, %swap3A_505] {strides = array<i32>} : memref<2x8x128xf32, #tpu.memory_space<vmem>>, vector<16xf32>,
      tpu.vector_store %arg6[%swap3A_503, %swap3A_504, %swap3A_505], %gather3A_501 {strides = array<i32>} : memref<2x8x128xf32, #tpu.memory_space<vmem>>, vector<16xf32>,
      %gather3A_507 = tpu.vector_load_idx %arg5[%add3A_500, %get3A_5] : memref<24x4096xf32, #tpu.memory_space<vmem>>[vector<16xi32>, vector<16xi32>], vector<16xf32>,
      %swap3A_508 = arith.constant 7 : i32
      %swap3A_509 = arith.index_cast %rem3A_82 : i32 to index
      %swap3A_510 = arith.index_cast %swap3A_508 : i32 to index
      %swap3A_511 = arith.constant 16 : index
      %swap3A_512 = tpu.vector_load %arg6[%swap3A_509, %swap3A_510, %swap3A_511] {strides = array<i32>} : memref<2x8x128xf32, #tpu.memory_space<vmem>>, vector<16xf32>,
      tpu.vector_store %arg6[%swap3A_509, %swap3A_510, %swap3A_511], %gather3A_507 {strides = array<i32>} : memref<2x8x128xf32, #tpu.memory_space<vmem>>, vector<16xf32>,
      %gather3A_513 = tpu.vector_load_idx %arg5[%add3A_500, %get3A_7] : memref<24x4096xf32, #tpu.memory_space<vmem>>[vector<16xi32>, vector<16xi32>], vector<16xf32>,
      %swap3A_514 = arith.constant 7 : i32
      %swap3A_515 = arith.index_cast %rem3A_82 : i32 to index
      %swap3A_516 = arith.index_cast %swap3A_514 : i32 to index
      %swap3A_517 = arith.constant 32 : index
      %swap3A_518 = tpu.vector_load %arg6[%swap3A_515, %swap3A_516, %swap3A_517] {strides = array<i32>} : memref<2x8x128xf32, #tpu.memory_space<vmem>>, vector<16xf32>,
      tpu.vector_store %arg6[%swap3A_515, %swap3A_516, %swap3A_517], %gather3A_513 {strides = array<i32>} : memref<2x8x128xf32, #tpu.memory_space<vmem>>, vector<16xf32>,
      %gather3A_519 = tpu.vector_load_idx %arg5[%add3A_500, %get3A_9] : memref<24x4096xf32, #tpu.memory_space<vmem>>[vector<16xi32>, vector<16xi32>], vector<16xf32>,
      %swap3A_520 = arith.constant 7 : i32
      %swap3A_521 = arith.index_cast %rem3A_82 : i32 to index
      %swap3A_522 = arith.index_cast %swap3A_520 : i32 to index
      %swap3A_523 = arith.constant 48 : index
      %swap3A_524 = tpu.vector_load %arg6[%swap3A_521, %swap3A_522, %swap3A_523] {strides = array<i32>} : memref<2x8x128xf32, #tpu.memory_space<vmem>>, vector<16xf32>,
      tpu.vector_store %arg6[%swap3A_521, %swap3A_522, %swap3A_523], %gather3A_519 {strides = array<i32>} : memref<2x8x128xf32, #tpu.memory_space<vmem>>, vector<16xf32>,
      %gather3A_525 = tpu.vector_load_idx %arg5[%add3A_500, %get3A_11] : memref<24x4096xf32, #tpu.memory_space<vmem>>[vector<16xi32>, vector<16xi32>], vector<16xf32>,
      %swap3A_526 = arith.constant 7 : i32
      %swap3A_527 = arith.index_cast %rem3A_82 : i32 to index
      %swap3A_528 = arith.index_cast %swap3A_526 : i32 to index
      %swap3A_529 = arith.constant 64 : index
      %swap3A_530 = tpu.vector_load %arg6[%swap3A_527, %swap3A_528, %swap3A_529] {strides = array<i32>} : memref<2x8x128xf32, #tpu.memory_space<vmem>>, vector<16xf32>,
      tpu.vector_store %arg6[%swap3A_527, %swap3A_528, %swap3A_529], %gather3A_525 {strides = array<i32>} : memref<2x8x128xf32, #tpu.memory_space<vmem>>, vector<16xf32>,
      %gather3A_531 = tpu.vector_load_idx %arg5[%add3A_500, %get3A_13] : memref<24x4096xf32, #tpu.memory_space<vmem>>[vector<16xi32>, vector<16xi32>], vector<16xf32>,
      %swap3A_532 = arith.constant 7 : i32
      %swap3A_533 = arith.index_cast %rem3A_82 : i32 to index
      %swap3A_534 = arith.index_cast %swap3A_532 : i32 to index
      %swap3A_535 = arith.constant 80 : index
      %swap3A_536 = tpu.vector_load %arg6[%swap3A_533, %swap3A_534, %swap3A_535] {strides = array<i32>} : memref<2x8x128xf32, #tpu.memory_space<vmem>>, vector<16xf32>,
      tpu.vector_store %arg6[%swap3A_533, %swap3A_534, %swap3A_535], %gather3A_531 {strides = array<i32>} : memref<2x8x128xf32, #tpu.memory_space<vmem>>, vector<16xf32>,
      %gather3A_537 = tpu.vector_load_idx %arg5[%add3A_500, %get3A_15] : memref<24x4096xf32, #tpu.memory_space<vmem>>[vector<16xi32>, vector<16xi32>], vector<16xf32>,
      %swap3A_538 = arith.constant 7 : i32
      %swap3A_539 = arith.index_cast %rem3A_82 : i32 to index
      %swap3A_540 = arith.index_cast %swap3A_538 : i32 to index
      %swap3A_541 = arith.constant 96 : index
      %swap3A_542 = tpu.vector_load %arg6[%swap3A_539, %swap3A_540, %swap3A_541] {strides = array<i32>} : memref<2x8x128xf32, #tpu.memory_space<vmem>>, vector<16xf32>,
      tpu.vector_store %arg6[%swap3A_539, %swap3A_540, %swap3A_541], %gather3A_537 {strides = array<i32>} : memref<2x8x128xf32, #tpu.memory_space<vmem>>, vector<16xf32>,
      %gather3A_543 = tpu.vector_load_idx %arg5[%add3A_500, %get3A_17] : memref<24x4096xf32, #tpu.memory_space<vmem>>[vector<16xi32>, vector<16xi32>], vector<16xf32>,
      %swap3A_544 = arith.constant 7 : i32
      %swap3A_545 = arith.index_cast %rem3A_82 : i32 to index
      %swap3A_546 = arith.index_cast %swap3A_544 : i32 to index
      %swap3A_547 = arith.constant 112 : index
      %swap3A_548 = tpu.vector_load %arg6[%swap3A_545, %swap3A_546, %swap3A_547] {strides = array<i32>} : memref<2x8x128xf32, #tpu.memory_space<vmem>>, vector<16xf32>,
      tpu.vector_store %arg6[%swap3A_545, %swap3A_546, %swap3A_547], %gather3A_543 {strides = array<i32>} : memref<2x8x128xf32, #tpu.memory_space<vmem>>, vector<16xf32>,
      %mul3A_549 = arith.constant 8 : i32
      %mul3A_550 = arith.muli %scan3A_78, %mul3A_549 : i32
      %add3A_551 = arith.addi %mul3A_2, %mul3A_550 : i32
      %dma_start3A_552 = arith.constant 0 : i32
      %dma_start3A_553 = arith.constant 0 : i32
      %dma_start3A_554 = tpu.memref_slice %arg6[%rem3A_82, %dma_start3A_552, %dma_start3A_553] : memref<2x8x128xf32, #tpu.memory_space<vmem>> -> memref<1x8x128xf32, #tpu.memory_space<vmem>>
      %dma_start3A_555 = tpu.memref_squeeze %dma_start3A_554 : memref<1x8x128xf32, #tpu.memory_space<vmem>> -> memref<8x128xf32, #tpu.memory_space<vmem>>
      %dma_start3A_556 = arith.constant 0 : i32
      %dma_start3A_557 = tpu.memref_slice %arg4[%add3A_551, %dma_start3A_556] : memref<16384x128xf32, #tpu.memory_space<hbm>> -> memref<8x128xf32, #tpu.memory_space<hbm>>
      %dma_start3A_558 = arith.constant 0 : i32
      %dma_start3A_559 = tpu.memref_slice %arg4[%add3A_551, %dma_start3A_558] : memref<16384x128xf32, #tpu.memory_space<hbm>> -> memref<8x128xf32, #tpu.memory_space<hbm>>
      %dma_start3A_560 = arith.constant 0 : i32
      %dma_start3A_561 = arith.constant 0 : i32
      %dma_start3A_562 = tpu.memref_slice %arg6[%rem3A_82, %dma_start3A_560, %dma_start3A_561] : memref<2x8x128xf32, #tpu.memory_space<vmem>> -> memref<1x8x128xf32, #tpu.memory_space<vmem>>
      %dma_start3A_563 = tpu.memref_squeeze %dma_start3A_562 : memref<1x8x128xf32, #tpu.memory_space<vmem>> -> memref<8x128xf32, #tpu.memory_space<vmem>>
      tpu.enqueue_dma source(%dma_start3A_563 : memref<8x128xf32, #tpu.memory_space<vmem>>) target(%dma_start3A_559 : memref<8x128xf32, #tpu.memory_space<hbm>>) target_semaphore(%arg9 : memref<!tpu.dma_semaphore, #tpu.memory_space<semaphore_mem>>)
    }
    %scan3A_45 = arith.constant 64 : i32
    %rem3A = arith.constant 62 : i32
    %rem3A_46 = arith.constant 2 : i32
    %rem3A_47 = arith.remsi %rem3A, %rem3A_46 : i32
    %add3A_48 = arith.constant 496 : i32
    %add3A_49 = arith.addi %mul3A_2, %add3A_48 : i32
    %dma_wait3A = arith.constant 0 : i32
    %dma_wait3A_50 = arith.constant 0 : i32
    %dma_wait3A_51 = tpu.memref_slice %arg6[%rem3A_47, %dma_wait3A, %dma_wait3A_50] : memref<2x8x128xf32, #tpu.memory_space<vmem>> -> memref<1x8x128xf32, #tpu.memory_space<vmem>>
    %dma_wait3A_52 = tpu.memref_squeeze %dma_wait3A_51 : memref<1x8x128xf32, #tpu.memory_space<vmem>> -> memref<8x128xf32, #tpu.memory_space<vmem>>
    %dma_wait3A_53 = arith.constant 0 : i32
    %dma_wait3A_54 = tpu.memref_slice %arg4[%add3A_49, %dma_wait3A_53] : memref<16384x128xf32, #tpu.memory_space<hbm>> -> memref<8x128xf32, #tpu.memory_space<hbm>>
    %dma_wait3A_55 = arith.constant 0 : i32
    %dma_wait3A_56 = tpu.memref_slice %arg4[%add3A_49, %dma_wait3A_55] : memref<16384x128xf32, #tpu.memory_space<hbm>> -> memref<8x128xf32, #tpu.memory_space<hbm>>
    %dma_wait3A_57 = arith.constant 0 : i32
    %dma_wait3A_58 = arith.constant 0 : i32
    %dma_wait3A_59 = tpu.memref_slice %arg6[%rem3A_47, %dma_wait3A_57, %dma_wait3A_58] : memref<2x8x128xf32, #tpu.memory_space<vmem>> -> memref<1x8x128xf32, #tpu.memory_space<vmem>>
    %dma_wait3A_60 = tpu.memref_squeeze %dma_wait3A_59 : memref<1x8x128xf32, #tpu.memory_space<vmem>> -> memref<8x128xf32, #tpu.memory_space<vmem>>
    tpu.wait_dma2 semaphore(%arg9 : memref<!tpu.dma_semaphore, #tpu.memory_space<semaphore_mem>>) src(%dma_wait3A_60 : memref<8x128xf32, #tpu.memory_space<vmem>>) dst(%dma_wait3A_56 : memref<8x128xf32, #tpu.memory_space<hbm>>)
    %rem3A_61 = arith.constant 63 : i32
    %rem3A_62 = arith.constant 2 : i32
    %rem3A_63 = arith.remsi %rem3A_61, %rem3A_62 : i32
    %add3A_64 = arith.constant 504 : i32
    %add3A_65 = arith.addi %mul3A_2, %add3A_64 : i32
    %dma_wait3A_66 = arith.constant 0 : i32
    %dma_wait3A_67 = arith.constant 0 : i32
    %dma_wait3A_68 = tpu.memref_slice %arg6[%rem3A_63, %dma_wait3A_66, %dma_wait3A_67] : memref<2x8x128xf32, #tpu.memory_space<vmem>> -> memref<1x8x128xf32, #tpu.memory_space<vmem>>
    %dma_wait3A_69 = tpu.memref_squeeze %dma_wait3A_68 : memref<1x8x128xf32, #tpu.memory_space<vmem>> -> memref<8x128xf32, #tpu.memory_space<vmem>>
    %dma_wait3A_70 = arith.constant 0 : i32
    %dma_wait3A_71 = tpu.memref_slice %arg4[%add3A_65, %dma_wait3A_70] : memref<16384x128xf32, #tpu.memory_space<hbm>> -> memref<8x128xf32, #tpu.memory_space<hbm>>
    %dma_wait3A_72 = arith.constant 0 : i32
    %dma_wait3A_73 = tpu.memref_slice %arg4[%add3A_65, %dma_wait3A_72] : memref<16384x128xf32, #tpu.memory_space<hbm>> -> memref<8x128xf32, #tpu.memory_space<hbm>>
    %dma_wait3A_74 = arith.constant 0 : i32
    %dma_wait3A_75 = arith.constant 0 : i32
    %dma_wait3A_76 = tpu.memref_slice %arg6[%rem3A_63, %dma_wait3A_74, %dma_wait3A_75] : memref<2x8x128xf32, #tpu.memory_space<vmem>> -> memref<1x8x128xf32, #tpu.memory_space<vmem>>
    %dma_wait3A_77 = tpu.memref_squeeze %dma_wait3A_76 : memref<1x8x128xf32, #tpu.memory_space<vmem>> -> memref<8x128xf32, #tpu.memory_space<vmem>>
    tpu.wait_dma2 semaphore(%arg9 : memref<!tpu.dma_semaphore, #tpu.memory_space<semaphore_mem>>) src(%dma_wait3A_77 : memref<8x128xf32, #tpu.memory_space<vmem>>) dst(%dma_wait3A_73 : memref<8x128xf32, #tpu.memory_space<hbm>>)
    return
  }
}

</mosaic_0001>

<sc_bundles>
// kernel: kernel.3.cloned.1.call-start
scs
__scs_entry_jumppad:
0x0: {  	(pc) =	sbr.rel $0x88, $3  }
0x1: {  	(tag) =	ssettag $0x0;
	lr =	simm.s32 $0x1  }
0x2: {  	[smem:$0x3F9F] =	sst lr;
	_ =	strace $0xD0000000  }
0x3: {  	_ = 	snop  }
0x4: {  	_ = 	snop  }
0x5: {  	_ = 	snop  }
0x6: {  	_ = 	snop  }
0x7: {  	_ = 	snop  }
__scs_overlays_trampoline_lowered:
0x8: {  	[smem:$0x3FAE] =	sst s0  }
0x9: {  	[smem:$0x3FAF] =	sst s1  }
0xa: {  	[smem:$0x3FB0] =	sst s2  }
0xb: {  	[smem:$0x3FB1] =	sst s3  }
0xc: {  	[smem:$0x3FB2] =	sst s4  }
0xd: {  	[smem:$0x3FB3] =	sst s5  }
0xe: {  	[smem:$0x3FB4] =	sst s6  }
0xf: {  	[smem:$0x3FB5] =	sst s7  }
0x10: {  	[smem:$0x3FB6] =	sst s8  }
0x11: {  	[smem:$0x3FB7] =	sst s9;
	s0 =	simm.s32 @!p0 $0x0  }
0x12: {  	s1 =	sld [smem:$0x3F9D];
	s0 =	simm.s32 @p0 $0x1  }
0x13: {  	[smem:$0x3FB8] =	sst s0;
	s0 =	simm.s32 @!p1 $0x0  }
0x14: {  	s2 =	sld [smem:$0x3F9C];
	s0 =	simm.s32 @p1 $0x1  }
0x15: {  	[smem:$0x3FB9] =	sst s0;
	s0 =	simm.s32 @!p2 $0x0  }
0x16: {  	s3 =	sld [smem:$0x3FDB];
	s0 =	simm.s32 @p2 $0x1  }
0x17: {  	s4 =	simm.s32 $0x1BF5;
	[smem:$0x3FBB] =	sst s0  }
0x18: {  	s0 =	sld [smem:$0x3F9E];
	_ =	swait.ge [sflag:s4], $0x0  }
0x19: {  	s7 =	sld [smem:$0x3F9F]  }
0x1a: {  	s8 =	sadd.s32 $0xFFFFE003, lr  }
0x1b: {  	s9 =	sadd.s32 $0xFFFFFEF7, lr;
	s5 =	simm.s32 $0xFFFFFFFF;
	p2 =	slt.u32 s8, $0xFFFFF086  }
0x1c: {  	p1 =	slt.u32 s9, $0xF7A;
	s5 =	simm.s32 @!p2 $0x0  }
0x1d: {  	s5 =	simm.s32 @p1 $0x1;
	p0 =	seq.s32 s7, s2  }
0x1e: {  	s7 =	smul.u32 @!p0 $0xF7A, s2;
	p2 =	seq.s32 @!p0 s5, $0x0  }
0x1f: {  	s9 =	smul.u32 $0xF7A, s1;
	s8 =	simm.s32 @!p0 $0x1BF5;
	p2 =	por !p2, p0  }
0x20: {  	[sflag:s8] =	ssyncset.s32 @!p0 $0xFFFFF086;
	s6 =	sadd.s32 @!p0 s3, s7;
	s7 =	simm.s32 @!p0 $0x108  }
0x21: {  	s3 =	sadd.s32 s3, s9;
	s6 =	sadd.s32 @!p0 $0x88, s6;
	s7 =	simm.s32 @p2 $0x1082  }
0x22: {  	[simem:s7], [sflag:s8] =	dma.local @!p0 [hbm:s6], $0xF7A  }
0x23: {  	s9 =	sor.u32 $0xD0000000, s2;
	s6 =	simm.s32 $0x108;
	_ =	swait.ge @!p0 [sflag:s8], $0x0  }
0x24: {  	s3 =	sadd.s32 $0x88, s3;
	s6 =	simm.s32 @!p1 $0x1082;
	[sflag:s4] =	ssyncset.s32 $0xFFFFF086  }
0x25: {  	[simem:s6], [sflag:s4] =	dma.local [hbm:s3], $0xF7A  }
0x26: {  	[smem:$0x3F9F] =	sst s1;
	(tag) =	ssettag s2;
	_ =	strace s9  }
0x27: {  	s1 =	sld [smem:$0x3FAF]  }
0x28: {  	s2 =	sld [smem:$0x3FB0]  }
0x29: {  	s4 =	sld [smem:$0x3FB2]  }
0x2a: {  	p0 =	seq.s32 s5, $0x0;
	s5 =	sld [smem:$0x3FB3]  }
0x2b: {  	s6 =	sld [smem:$0x3FB4]  }
0x2c: {  	s7 =	sld [smem:$0x3FB5]  }
0x2d: {  	s3 =	simm.s32 $0x108;
	s8 =	sld [smem:$0x3FB6]  }
0x2e: {  	s3 =	simm.s32 @!p0 $0x1082;
	s9 =	sld [smem:$0x3FB7]  }
0x2f: {  	lr =	sadd.s32 s0, s3;
	s0 =	sld [smem:$0x3FAE]  }
0x30: {  	s3 =	sld [smem:$0x3FB1]  }
0x31: {  	[smem:$0x3FBA] =	sst s10  }
0x32: {  	s10 =	sld [smem:$0x3FB8];
	_ =	sdelay $0x3  }
0x33: {  	p0 =	seq.s32 s10, $0x1;
	s10 =	sld [smem:$0x3FBA];
	_ =	sdelay $0x3  }
0x34: {  	[smem:$0x3FBA] =	sst s10  }
0x35: {  	s10 =	sld [smem:$0x3FB9];
	_ =	sdelay $0x3  }
0x36: {  	p1 =	seq.s32 s10, $0x1;
	s10 =	sld [smem:$0x3FBA];
	_ =	sdelay $0x3  }
0x37: {  	[smem:$0x3FBA] =	sst s10  }
0x38: {  	s10 =	sld [smem:$0x3FBB]  }
0x39: {  	_ = 	snop;
	(pc) =	sbr.ind lr, $3  }
0x3a: {  	_ = 	snop  }
0x3b: {  	_ = 	snop  }
0x3c: {  	p2 =	seq.s32 s10, $0x1;
	s10 =	sld [smem:$0x3FBA]  }
0x3d: {  	_ =	shalt  }
0x3e: {  	_ =	shalt  }
0x3f: {  	_ =	shalt  }
0x40: {  	_ =	shalt  }
0x41: {  	_ =	shalt  }
0x42: {  	_ =	shalt  }
0x43: {  	_ =	shalt  }
0x44: {  	_ =	shalt  }
0x45: {  	_ =	shalt  }
0x46: {  	_ =	shalt  }
0x47: {  	_ =	shalt  }
0x48: {  	_ =	shalt  }
0x49: {  	_ =	shalt  }
0x4a: {  	_ =	shalt  }
0x4b: {  	_ =	shalt  }
0x4c: {  	_ =	shalt  }
0x4d: {  	_ =	shalt  }
0x4e: {  	_ =	shalt  }
0x4f: {  	_ =	shalt  }
0x50: {  	_ =	shalt  }
0x51: {  	_ =	shalt  }
0x52: {  	_ =	shalt  }
0x53: {  	_ =	shalt  }
0x54: {  	_ =	shalt  }
0x55: {  	_ =	shalt  }
0x56: {  	_ =	shalt  }
0x57: {  	_ =	shalt  }
0x58: {  	_ =	shalt  }
0x59: {  	_ =	shalt  }
0x5a: {  	_ =	shalt  }
0x5b: {  	_ =	shalt  }
0x5c: {  	_ =	shalt  }
0x5d: {  	_ =	shalt  }
0x5e: {  	_ =	shalt  }
0x5f: {  	_ =	shalt  }
0x60: {  	_ =	shalt  }
0x61: {  	_ =	shalt  }
0x62: {  	_ =	shalt  }
0x63: {  	_ =	shalt  }
0x64: {  	_ =	shalt  }
0x65: {  	_ =	shalt  }
0x66: {  	_ =	shalt  }
0x67: {  	_ =	shalt  }
0x68: {  	_ =	shalt  }
0x69: {  	_ =	shalt  }
0x6a: {  	_ =	shalt  }
0x6b: {  	_ =	shalt  }
0x6c: {  	_ =	shalt  }
0x6d: {  	_ =	shalt  }
0x6e: {  	_ =	shalt  }
0x6f: {  	_ =	shalt  }
0x70: {  	_ =	shalt  }
0x71: {  	_ =	shalt  }
0x72: {  	_ =	shalt  }
0x73: {  	_ =	shalt  }
0x74: {  	_ =	shalt  }
0x75: {  	_ =	shalt  }
0x76: {  	_ =	shalt  }
0x77: {  	_ =	shalt  }
0x78: {  	_ =	shalt  }
0x79: {  	_ =	shalt  }
0x7a: {  	_ =	shalt  }
0x7b: {  	_ =	shalt  }
0x7c: {  	_ =	shalt  }
0x7d: {  	_ =	shalt  }
0x7e: {  	_ =	shalt  }
0x7f: {  	_ =	shalt  }
0x80: {  	_ =	shalt  }
0x81: {  	_ =	shalt  }
0x82: {  	_ =	shalt  }
0x83: {  	_ =	shalt  }
0x84: {  	_ =	shalt  }
0x85: {  	_ =	shalt  }
0x86: {  	_ =	shalt  }
0x87: {  	_ =	shalt  }
.Lfunc_end0:
.L_simem_size_0:
called_computation_lowered:
.L_overlay_start_0:
0x88: {  	s2 =	sld [smem:$0x3FD9]  }
0x89: {  	s3 =	sld [smem:$0x3FFE];
	_ =	sdelay $0x1  }
0x8a: {  	s1 =	srdreg.scid  }
0x8b: {  	s0 =	sand.u32 $0x1, s1  }
0x8c: {  	s18 =	sshll.u32 s0, $0xA;
	s2 =	sadd.s32 s3, s2  }
0x8d: {  	s2 =	sadd.s32 s2, s18  }
0x8e: {  	[smem:$0x3FC6] =	sst s2  }
0x8f: {  	_ = 	snop  }
0x90: {  	s2 =	sld [smem:$0x3FC9]  }
0x91: {  	s19 =	sld [smem:$0x3FC8]  }
0x92: {  	s4 =	sld [smem:$0x3FD0];
	(tm) =	ssettm $0x1  }
0x93: {  	s5 =	sld [smem:$0x3FFB];
	_ =	sdelay $0x3  }
0x94: {  	_ =	strace s5  }
0x95: {  	s5 =	sld [smem:$0x3FFC];
	_ =	sdelay $0x3  }
0x96: {  	_ =	strace s5  }
0x97: {  	s5 =	sld [smem:$0x3FFD];
	_ =	sdelay $0x3  }
0x98: {  	_ =	strace s5  }
0x99: {  	_ =	strace $0x8FFFFFFF  }
0x9a: {  	s20 =	sld [smem:$0x3FDB];
	_ =	sdelay $0x1  }
0x9b: {  	s6 =	simm.s32 $_scs_section_size  }
0x9c: {  	s7 =	simm.s32 $_size__tile_overlayer_lowered;
	s8 =	simm.s32 $_tile_overlayer_lowered  }
0x9d: {  	s23 =	simm.s32 $0x1BFF;
	s22 =	sshll.u32 s8, $0x1;
	s5 =	sadd.s32 s6, s20  }
0x9e: {  	s9 =	simm.s32 $0x0;
	s21 =	sshll.u32 s7, $0x1;
	s7 =	sadd.s32 s22, s5  }
0x9f: {  	[timem:s9], [sflag:s23] =	dma.local [hbm:s7], s21  }
0xa0: {  	_ =	swait.ge [sflag:s23], s21  }
0xa1: {  	s6 =	ssub.s32 $0x0, s21;
	[sflag:s23] =	ssyncset.done $0x0  }
0xa2: {  	[sflag:s23] =	ssyncadd.s32 s6;
	_ =	sdelay $0x1  }
0xa3: {  	s24 =	simm.s32 $0x1B8B  }
0xa4: {  	_ =	swait.ge [sflag:s24], $0x1  }
0xa5: {  	[sflag:s24] =	ssyncset.done $0x0  }
0xa6: {  	s25 =	simm.s32 $0x1B8E;
	[sflag:s24] =	ssyncadd.s32 $0xFFFFFFFF  }
0xa7: {  	s26 =	simm.s32 $execute0_lowered;
	[smem:$0x3FD2] =	sst s25  }
0xa8: {  	s6 =	sshll.u32 s26, $0x1;
	_ =	strace $0x80000046;
	[dreg:$0x1] =	wrdreg $0xFFFFFFFF  }
0xa9: {  	s28 =	simm.s32 $_size_execute0_lowered;
	s5 =	sadd.s32 s5, s6;
	[dreg:$0x0] =	wrdreg $0x0  }
0xaa: {  	s6 =	sshll.u32 s28, $0x1;
	[dreg:$0x2] =	wrdreg s5  }
0xab: {  	[dreg:$0x3] =	wrdreg s6  }
0xac: {  	[dreg:$0x4] =	wrdreg $0xC0  }
0xad: {  	_ =	task [dreg:s9], $0x5FFFF  }
0xae: {  	[dreg:$0x1] =	wrdreg $0xFFFFFFFF  }
0xaf: {  	[dreg:$0x0] =	wrdreg $0x60  }
0xb0: {  	[dreg:$0x2] =	wrdreg s2  }
0xb1: {  	[dreg:$0x3] =	wrdreg s19  }
0xb2: {  	[dreg:$0x4] =	wrdreg s4  }
0xb3: {  	[dreg:$0x5] =	wrdreg $0x9  }
0xb4: {  	_ =	task.clear_ibuf [dreg:s9], $0x6FFFF;
	_ =	strace $0x90000046  }
0xb5: {  	s29 =	simm.s32 $0x9;
	_ =	strace $0x80000048  }
0xb6: {  	_ =	swait.ge [sflag:s29], $0x1  }
0xb7: {  	[sflag:s29] =	ssyncadd.s32 $0xFFFFFFFF  }
0xb8: {  	_ =	strace $0x90000048  }
0xb9: {  	_ =	sfence  }
0xba: {  	s30 =	sld [smem:$0x0];
	_ =	sdelay $0x2  }
0xbb: {  	s31 =	sshll.u32 s1, $0xD;
	s1 =	sshrl.u32 s1, $0x2  }
0xbc: {  	s3 =	sand.u32 $0x4000, s31;
	s1 =	sadd.s32 s1, s30  }
0xbd: {  	s0 =	sor.u32 s3, s0;
	s1 =	sshll.u32 s1, $0x11  }
0xbe: {  	s0 =	sor.u32 s1, s0  }
0xbf: {  	s0 =	sadd.s32 $0x8F2B, s0  }
0xc0: {  	[sflag:s0] =	ssyncadd.remote.s32 $0x1  }
0xc1: {  	_ =	sfence.sel $0xFFFF  }
0xc2: {  	[dreg:$0x0] =	wrdreg $0xFFFFFFFF;
	(pc) =	sbr.abs _section_cstart, $3  }
0xc3: {  	[dreg:$0x1] =	wrdreg $0xFFFFFFFF  }
0xc4: {  	_ =	task.clear_ibuf [dreg:s9], $0x2FFFF;
	_ =	strace $0x9FFFFFFF  }
0xc5: {  	(tm) =	ssettm $0x7FFFFFFF  }
tec
execute0_lowered:
.L_overlay_start_1:
0x0: {  	(tag) =	ssettag $0x1  }
0x1: {  	s4 =	rddreg [dreg:$0x0]  }
0x2: {  	s1 =	rddreg [dreg:$0x1]  }
0x3: {  	s6 =	rddreg [dreg:$0x2]  }
0x4: {  	s0 =	rddreg [dreg:$0x3];
	s3 =	simm.s32 $0x0;
	s5 =	srdreg.scid  }
0x5: {  	s2 =	stileid.u32;
	s11 =	simm.s32 $0x8000;
	s12 =	simm.s32 $0x1  }
0x6: {  	s13 =	simm.s32 $0x2;
	s14 =	simm.s32 $0x0;
	[smem:$0x7FF] =	sst s3  }
0x7: {  	s7 =	sand.u32 $0x1, s5;
	s8 =	sshll.u32 s2, $0x13;
	s30 =	sshll.u32 s2, $0xE  }
0x8: {  	s5 =	ssub.s32 $0x2, s7;
	s9 =	sshll.u32 s7, $0x12;
	_ =	strace $0x80000047  }
0x9: {  	s31 =	sshll.u32 s7, $0xD;
	s10 =	sshrl.u32 s5, $0x1;
	s8 =	sor.u32 s9, s8  }
0xa: {  	s9 =	simm.s32 $0x18800;
	s29 =	ssub.s32 s5, s10;
	s4 =	sadd.s32 s8, s4  }
0xb: {  	s8 =	sadd.s32 s30, s6;
	s10 =	simm.s32 $0x3;
	s5 =	sadd.s32 $0x1000, s4  }
0xc: {  	s6 =	smax.u32 s29, $0x1;
	s7 =	sadd.s32 $0x2000, s4;
	s8 =	sadd.s32 s31, s8  }
.LBB2_1:
0xd: {  	[tilespmem:s9], [sflag:$0x3] =	stream.linear.gather [hbm4b:s1+s3], $0x80, $0x38;
	[tilespmem:$0x18880] =	vst v63  }
0xe: {  	_ =	swait.ge [sflag:s10], $0x80  }
0xf: {  	[sflag:s10] =	ssyncset.done $0x0  }
0x10: {  	[sflag:s10] =	ssyncadd.s32 $0xFFFFFF80  }
0x11: {  	v0 =	vld [tilespmem:$0x18800]  }
0x12: {  	v1 =	vld [tilespmem:$0x18810]  }
0x13: {  	v2 =	vld [tilespmem:$0x18820]  }
0x14: {  	v3 =	vld [tilespmem:$0x18830];
	_ =	sdelay $0x2  }
0x15: {  	v6 =	vld [tilespmem:$0x18850];
	v5 =	vshll.u32 v0, $0x3  }
0x16: {  	v4 =	vld [tilespmem:$0x18840];
	v0 =	vand.u32 $0x7F, v0;
	v7 =	vshll.u32 v1, $0x3;
	v1 =	vand.u32 $0x7F, v1  }
0x17: {  	v8 =	vand.u32 $0x7F, v2;
	v2 =	vshll.u32 v2, $0x3;
	v9 =	vshll.u32 v3, $0x3  }
0x18: {  	v3 =	vand.u32 $0x7F, v3;
	v5 =	vand.u32 $0xFFFFFC00, v5;
	v2 =	vand.u32 $0xFFFFFC00, v2  }
0x19: {  	v9 =	vand.u32 $0xFFFFFC00, v9;
	v0 =	vor.u32 v0, v5;
	v5 =	vand.u32 $0xFFFFFC00, v7  }
0x1a: {  	v2 =	vor.u32 v8, v2;
	v3 =	vor.u32 v3, v9;
	v8 =	vshll.u32 v6, $0x3  }
0x1b: {  	v6 =	vand.u32 $0x7F, v6;
	v1 =	vor.u32 v1, v5;
	v5 =	vand.u32 $0x7F, v4  }
0x1c: {  	v4 =	vshll.u32 v4, $0x3;
	v8 =	vand.u32 $0xFFFFFC00, v8;
	v11 =	vor.u32 $0x80, v3  }
0x1d: {  	v16 =	vor.u32 $0x100, v0;
	v18 =	vor.u32 $0x100, v2;
	v19 =	vor.u32 $0x100, v3  }
0x1e: {  	v24 =	vor.u32 $0x180, v0;
	v26 =	vor.u32 $0x180, v2;
	v27 =	vor.u32 $0x180, v3  }
0x1f: {  	v32 =	vor.u32 $0x200, v0;
	v34 =	vor.u32 $0x200, v2;
	v35 =	vor.u32 $0x200, v3  }
0x20: {  	v10 =	vld [tilespmem:$0x18870];
	v40 =	vor.u32 $0x280, v0;
	v42 =	vor.u32 $0x280, v2;
	v43 =	vor.u32 $0x280, v3  }
0x21: {  	v48 =	vor.u32 $0x300, v0;
	v50 =	vor.u32 $0x300, v2;
	v51 =	vor.u32 $0x300, v3  }
0x22: {  	v56 =	vor.u32 $0x380, v0;
	v58 =	vor.u32 $0x380, v2;
	v59 =	vor.u32 $0x380, v3  }
0x23: {  	v4 =	vand.u32 $0xFFFFFC00, v4;
	v17 =	vor.u32 $0x100, v1;
	v25 =	vor.u32 $0x180, v1  }
0x24: {  	v33 =	vor.u32 $0x200, v1;
	v41 =	vor.u32 $0x280, v1;
	v49 =	vor.u32 $0x300, v1  }
0x25: {  	v7 =	vld [tilespmem:$0x18860];
	v4 =	vor.u32 v5, v4;
	v5 =	vor.u32 v6, v8;
	v8 =	vshll.u32 v10, $0x3  }
0x26: {  	v57 =	vor.u32 $0x380, v1;
	v8 =	vand.u32 $0xFFFFFC00, v8;
	v12 =	vor.u32 $0x80, v4  }
0x27: {  	v13 =	vor.u32 $0x80, v5;
	v20 =	vor.u32 $0x100, v4;
	v21 =	vor.u32 $0x100, v5  }
0x28: {  	v28 =	vor.u32 $0x180, v4;
	v29 =	vor.u32 $0x180, v5;
	v36 =	vor.u32 $0x200, v4  }
0x29: {  	v37 =	vor.u32 $0x200, v5;
	v44 =	vor.u32 $0x280, v4;
	v45 =	vor.u32 $0x280, v5  }
0x2a: {  	v52 =	vor.u32 $0x300, v4;
	v53 =	vor.u32 $0x300, v5;
	v6 =	vshll.u32 v7, $0x3  }
0x2b: {  	v60 =	vor.u32 $0x380, v4;
	v7 =	vand.u32 $0x7F, v7;
	v6 =	vand.u32 $0xFFFFFC00, v6  }
0x2c: {  	v61 =	vor.u32 $0x380, v5;
	v6 =	vor.u32 v7, v6;
	v7 =	vand.u32 $0x7F, v10  }
0x2d: {  	[tilespmem:s3], [sflag:$0x1] =	stream.linear.gather [hbm4b:s4+s3], $0x8000, $0x38;
	v7 =	vor.u32 v7, v8;
	v8 =	vor.u32 $0x80, v0;
	v14 =	vor.u32 $0x80, v6;
	[tilespmem:$0x18880] =	vst v63  }
0x2e: {  	v22 =	vor.u32 $0x100, v6;
	v30 =	vor.u32 $0x180, v6;
	v38 =	vor.u32 $0x200, v6  }
0x2f: {  	[tilespmem:s11], [sflag:$0x1] =	stream.linear.gather [hbm4b:s5+s3], $0x8000, $0x38;
	v46 =	vor.u32 $0x280, v6;
	v54 =	vor.u32 $0x300, v6;
	v62 =	vor.u32 $0x380, v6;
	[tilespmem:$0x18880] =	vst v63  }
0x30: {  	[tilespmem:$0x1FFD0] =	vst v8;
	v8 =	vor.u32 $0x80, v1;
	v15 =	vor.u32 $0x80, v7;
	v23 =	vor.u32 $0x100, v7  }
0x31: {  	s15 =	smov.u32 s8;
	v31 =	vor.u32 $0x180, v7;
	v39 =	vor.u32 $0x200, v7;
	[tilespmem:$0x1FFE0] =	vst v8;
	v8 =	vor.u32 $0x80, v2  }
0x32: {  	s16 =	simm.s32 $0x0;
	s17 =	smov.u32 s7;
	s18 =	simm.s32 $0x0;
	v47 =	vor.u32 $0x280, v7;
	v55 =	vor.u32 $0x300, v7;
	v63 =	vor.u32 $0x380, v7;
	[tilespmem:$0x1FFF0] =	vst v8  }
.LBB2_2:
0x33: {  	s19 =	smul.u32 $0xAB, s18  }
0x34: {  	p0 =	sgt.u32 s18, $0x3D  }
0x35: {  	s20 =	sadd.s32 @!p0 $0x2, s18;
	s19 =	sshrl.u32 s19, $0x9  }
0x36: {  	s21 =	smul.u32 @!p0 $0xAB, s20;
	s19 =	sand.u32 $0x7F, s19  }
0x37: {  	s19 =	smul.u32 $0x3, s19  }
0x38: {  	s21 =	sshrl.u32 @!p0 s21, $0x9  }
0x39: {  	s21 =	sand.u32 @!p0 $0x7F, s21;
	s19 =	ssub.s32 s18, s19  }
0x3a: {  	s21 =	smul.u32 @!p0 $0x3, s21;
	s19 =	sshll.u32 s19, $0x3  }
0x3b: {  	s19 =	sand.u32 $0xF8, s19  }
0x3c: {  	s20 =	ssub.s32 @!p0 s20, s21;
	v8 =	vmov s19  }
0x3d: {  	s19 =	sand.u32 @!p0 $0xFF, s20;
	v8 =	vshrl.u32 v8, $0x3  }
0x3e: {  	s20 =	simm.s32 @!p0 $0x0;
	s19 =	sshll.u32 @!p0 s19, $0xF;
	v8 =	vshll.u32 v8, $0xF  }
0x3f: {  	[tilespmem:s19], [sflag:$0x1] =	stream.linear.gather @!p0 [hbm4b:s17+s20], $0x8000, $0x38;
	v8 =	vbroadcast v8, $0x0;
	[tilespmem:$0x18880] =	vst v63  }
0x40: {  	_ =	swait.ge [sflag:s12], $0x8000  }
0x41: {  	p0 =	slt.u32 s18, $0x2;
	[sflag:s12] =	ssyncset.done $0x0;
	v9 =	vadd.s32 v0, v8  }
0x42: {  	s19 =	simm.s32 @!p0 $0x2;
	[sflag:s12] =	ssyncadd.s32 $0xFFFF8000  }
0x43: {  	_ =	swait.ge @!p0 [sflag:s19], $0x400  }
0x44: {  	[sflag:s19] =	ssyncset.done @!p0 $0x0  }
0x45: {  	[sflag:s19] =	ssyncadd.s32 @!p0 $0xFFFFFC00  }
0x46: {  	v9 =	vld.idx.msk [tilespmem:v9+s3+$0x0], $0xffff  }
0x47: {  	v10 =	vadd.s32 v1, v8;
	_ =	sdelay $0x2  }
0x48: {  	s31 =	sand.u32 $0x400, s16  }
0x49: {  	[tilespmem:s31+$0x18000] =	vst v9  }
0x4a: {  	v9 =	vld.idx.msk [tilespmem:v10+s3+$0x0], $0xffff  }
0x4b: {  	v10 =	vadd.s32 v2, v8;
	_ =	sdelay $0x3  }
0x4c: {  	[tilespmem:s31+$0x18010] =	vst v9  }
0x4d: {  	v9 =	vld.idx.msk [tilespmem:v10+s3+$0x0], $0xffff  }
0x4e: {  	v10 =	vadd.s32 v3, v8;
	_ =	sdelay $0x3  }
0x4f: {  	[tilespmem:s31+$0x18020] =	vst v9  }
0x50: {  	v9 =	vld.idx.msk [tilespmem:v10+s3+$0x0], $0xffff  }
0x51: {  	v10 =	vadd.s32 v4, v8;
	_ =	sdelay $0x3  }
0x52: {  	[tilespmem:s31+$0x18030] =	vst v9  }
0x53: {  	v9 =	vld.idx.msk [tilespmem:v10+s3+$0x0], $0xffff  }
0x54: {  	v10 =	vadd.s32 v5, v8;
	_ =	sdelay $0x3  }
0x55: {  	[tilespmem:s31+$0x18040] =	vst v9  }
0x56: {  	v9 =	vld.idx.msk [tilespmem:v10+s3+$0x0], $0xffff  }
0x57: {  	v10 =	vadd.s32 v6, v8;
	_ =	sdelay $0x3  }
0x58: {  	[tilespmem:s31+$0x18050] =	vst v9  }
0x59: {  	v9 =	vld.idx.msk [tilespmem:v10+s3+$0x0], $0xffff  }
0x5a: {  	v10 =	vadd.s32 v7, v8;
	_ =	sdelay $0x3  }
0x5b: {  	[tilespmem:s31+$0x18060] =	vst v9  }
0x5c: {  	v9 =	vld.idx.msk [tilespmem:v10+s3+$0x0], $0xffff  }
0x5d: {  	v10 =	vld [tilespmem:$0x1FFD0];
	_ =	sdelay $0x4  }
0x5e: {  	v10 =	vadd.s32 v10, v8;
	_ =	sdelay $0x3  }
0x5f: {  	[tilespmem:s31+$0x18070] =	vst v9  }
0x60: {  	v9 =	vld.idx.msk [tilespmem:v10+s3+$0x0], $0xffff  }
0x61: {  	v10 =	vld [tilespmem:$0x1FFE0];
	_ =	sdelay $0x4  }
0x62: {  	v10 =	vadd.s32 v10, v8;
	_ =	sdelay $0x3  }
0x63: {  	[tilespmem:s31+$0x18080] =	vst v9  }
0x64: {  	v9 =	vld.idx.msk [tilespmem:v10+s3+$0x0], $0xffff  }
0x65: {  	v10 =	vld [tilespmem:$0x1FFF0];
	_ =	sdelay $0x4  }
0x66: {  	v10 =	vadd.s32 v10, v8;
	_ =	sdelay $0x3  }
0x67: {  	[tilespmem:s31+$0x18090] =	vst v9  }
0x68: {  	v9 =	vld.idx.msk [tilespmem:v10+s3+$0x0], $0xffff  }
0x69: {  	v10 =	vadd.s32 v11, v8;
	_ =	sdelay $0x3  }
0x6a: {  	[tilespmem:s31+$0x180A0] =	vst v9  }
0x6b: {  	v9 =	vld.idx.msk [tilespmem:v10+s3+$0x0], $0xffff  }
0x6c: {  	v10 =	vadd.s32 v12, v8;
	_ =	sdelay $0x3  }
0x6d: {  	[tilespmem:s31+$0x180B0] =	vst v9  }
0x6e: {  	v9 =	vld.idx.msk [tilespmem:v10+s3+$0x0], $0xffff  }
0x6f: {  	v10 =	vadd.s32 v13, v8;
	_ =	sdelay $0x3  }
0x70: {  	[tilespmem:s31+$0x180C0] =	vst v9  }
0x71: {  	v9 =	vld.idx.msk [tilespmem:v10+s3+$0x0], $0xffff  }
0x72: {  	v10 =	vadd.s32 v14, v8;
	_ =	sdelay $0x3  }
0x73: {  	[tilespmem:s31+$0x180D0] =	vst v9  }
0x74: {  	v9 =	vld.idx.msk [tilespmem:v10+s3+$0x0], $0xffff  }
0x75: {  	v10 =	vadd.s32 v15, v8;
	_ =	sdelay $0x3  }
0x76: {  	[tilespmem:s31+$0x180E0] =	vst v9  }
0x77: {  	v9 =	vld.idx.msk [tilespmem:v10+s3+$0x0], $0xffff  }
0x78: {  	v10 =	vadd.s32 v16, v8;
	_ =	sdelay $0x3  }
0x79: {  	[tilespmem:s31+$0x180F0] =	vst v9  }
0x7a: {  	v9 =	vld.idx.msk [tilespmem:v10+s3+$0x0], $0xffff  }
0x7b: {  	v10 =	vadd.s32 v17, v8;
	_ =	sdelay $0x3  }
0x7c: {  	[tilespmem:s31+$0x18100] =	vst v9  }
0x7d: {  	v9 =	vld.idx.msk [tilespmem:v10+s3+$0x0], $0xffff  }
0x7e: {  	v10 =	vadd.s32 v18, v8;
	_ =	sdelay $0x3  }
0x7f: {  	[tilespmem:s31+$0x18110] =	vst v9  }
0x80: {  	v9 =	vld.idx.msk [tilespmem:v10+s3+$0x0], $0xffff  }
0x81: {  	v10 =	vadd.s32 v19, v8;
	_ =	sdelay $0x3  }
0x82: {  	[tilespmem:s31+$0x18120] =	vst v9  }
0x83: {  	v9 =	vld.idx.msk [tilespmem:v10+s3+$0x0], $0xffff  }
0x84: {  	v10 =	vadd.s32 v20, v8;
	_ =	sdelay $0x3  }
0x85: {  	[tilespmem:s31+$0x18130] =	vst v9  }
0x86: {  	v9 =	vld.idx.msk [tilespmem:v10+s3+$0x0], $0xffff  }
0x87: {  	v10 =	vadd.s32 v21, v8;
	_ =	sdelay $0x3  }
0x88: {  	[tilespmem:s31+$0x18140] =	vst v9  }
0x89: {  	v9 =	vld.idx.msk [tilespmem:v10+s3+$0x0], $0xffff  }
0x8a: {  	v10 =	vadd.s32 v22, v8;
	_ =	sdelay $0x3  }
0x8b: {  	[tilespmem:s31+$0x18150] =	vst v9  }
0x8c: {  	v9 =	vld.idx.msk [tilespmem:v10+s3+$0x0], $0xffff  }
0x8d: {  	v10 =	vadd.s32 v23, v8;
	_ =	sdelay $0x3  }
0x8e: {  	[tilespmem:s31+$0x18160] =	vst v9  }
0x8f: {  	v9 =	vld.idx.msk [tilespmem:v10+s3+$0x0], $0xffff  }
0x90: {  	v10 =	vadd.s32 v24, v8;
	_ =	sdelay $0x3  }
0x91: {  	[tilespmem:s31+$0x18170] =	vst v9  }
0x92: {  	v9 =	vld.idx.msk [tilespmem:v10+s3+$0x0], $0xffff  }
0x93: {  	v10 =	vadd.s32 v25, v8;
	_ =	sdelay $0x3  }
0x94: {  	[tilespmem:s31+$0x18180] =	vst v9  }
0x95: {  	v9 =	vld.idx.msk [tilespmem:v10+s3+$0x0], $0xffff  }
0x96: {  	v10 =	vadd.s32 v26, v8;
	_ =	sdelay $0x3  }
0x97: {  	[tilespmem:s31+$0x18190] =	vst v9  }
0x98: {  	v9 =	vld.idx.msk [tilespmem:v10+s3+$0x0], $0xffff  }
0x99: {  	v10 =	vadd.s32 v27, v8;
	_ =	sdelay $0x3  }
0x9a: {  	[tilespmem:s31+$0x181A0] =	vst v9  }
0x9b: {  	v9 =	vld.idx.msk [tilespmem:v10+s3+$0x0], $0xffff  }
0x9c: {  	v10 =	vadd.s32 v28, v8;
	_ =	sdelay $0x3  }
0x9d: {  	[tilespmem:s31+$0x181B0] =	vst v9  }
0x9e: {  	v9 =	vld.idx.msk [tilespmem:v10+s3+$0x0], $0xffff  }
0x9f: {  	v10 =	vadd.s32 v29, v8;
	_ =	sdelay $0x3  }
0xa0: {  	[tilespmem:s31+$0x181C0] =	vst v9  }
0xa1: {  	v9 =	vld.idx.msk [tilespmem:v10+s3+$0x0], $0xffff  }
0xa2: {  	v10 =	vadd.s32 v30, v8;
	_ =	sdelay $0x3  }
0xa3: {  	[tilespmem:s31+$0x181D0] =	vst v9  }
0xa4: {  	v9 =	vld.idx.msk [tilespmem:v10+s3+$0x0], $0xffff  }
0xa5: {  	v10 =	vadd.s32 v31, v8;
	_ =	sdelay $0x3  }
0xa6: {  	[tilespmem:s31+$0x181E0] =	vst v9  }
0xa7: {  	v9 =	vld.idx.msk [tilespmem:v10+s3+$0x0], $0xffff  }
0xa8: {  	v10 =	vadd.s32 v32, v8;
	_ =	sdelay $0x3  }
0xa9: {  	[tilespmem:s31+$0x181F0] =	vst v9  }
0xaa: {  	v9 =	vld.idx.msk [tilespmem:v10+s3+$0x0], $0xffff  }
0xab: {  	v10 =	vadd.s32 v33, v8;
	_ =	sdelay $0x3  }
0xac: {  	[tilespmem:s31+$0x18200] =	vst v9  }
0xad: {  	v9 =	vld.idx.msk [tilespmem:v10+s3+$0x0], $0xffff  }
0xae: {  	v10 =	vadd.s32 v34, v8;
	_ =	sdelay $0x3  }
0xaf: {  	[tilespmem:s31+$0x18210] =	vst v9  }
0xb0: {  	v9 =	vld.idx.msk [tilespmem:v10+s3+$0x0], $0xffff  }
0xb1: {  	v10 =	vadd.s32 v35, v8;
	_ =	sdelay $0x3  }
0xb2: {  	[tilespmem:s31+$0x18220] =	vst v9  }
0xb3: {  	v9 =	vld.idx.msk [tilespmem:v10+s3+$0x0], $0xffff  }
0xb4: {  	v10 =	vadd.s32 v36, v8;
	_ =	sdelay $0x3  }
0xb5: {  	[tilespmem:s31+$0x18230] =	vst v9  }
0xb6: {  	v9 =	vld.idx.msk [tilespmem:v10+s3+$0x0], $0xffff  }
0xb7: {  	v10 =	vadd.s32 v37, v8;
	_ =	sdelay $0x3  }
0xb8: {  	[tilespmem:s31+$0x18240] =	vst v9  }
0xb9: {  	v9 =	vld.idx.msk [tilespmem:v10+s3+$0x0], $0xffff  }
0xba: {  	v10 =	vadd.s32 v38, v8;
	_ =	sdelay $0x3  }
0xbb: {  	[tilespmem:s31+$0x18250] =	vst v9  }
0xbc: {  	v9 =	vld.idx.msk [tilespmem:v10+s3+$0x0], $0xffff  }
0xbd: {  	v10 =	vadd.s32 v39, v8;
	_ =	sdelay $0x3  }
0xbe: {  	[tilespmem:s31+$0x18260] =	vst v9  }
0xbf: {  	v9 =	vld.idx.msk [tilespmem:v10+s3+$0x0], $0xffff  }
0xc0: {  	v10 =	vadd.s32 v40, v8;
	_ =	sdelay $0x3  }
0xc1: {  	[tilespmem:s31+$0x18270] =	vst v9  }
0xc2: {  	v9 =	vld.idx.msk [tilespmem:v10+s3+$0x0], $0xffff  }
0xc3: {  	v10 =	vadd.s32 v41, v8;
	_ =	sdelay $0x3  }
0xc4: {  	[tilespmem:s31+$0x18280] =	vst v9  }
0xc5: {  	v9 =	vld.idx.msk [tilespmem:v10+s3+$0x0], $0xffff  }
0xc6: {  	v10 =	vadd.s32 v42, v8;
	_ =	sdelay $0x3  }
0xc7: {  	[tilespmem:s31+$0x18290] =	vst v9  }
0xc8: {  	v9 =	vld.idx.msk [tilespmem:v10+s3+$0x0], $0xffff  }
0xc9: {  	v10 =	vadd.s32 v43, v8;
	_ =	sdelay $0x3  }
0xca: {  	[tilespmem:s31+$0x182A0] =	vst v9  }
0xcb: {  	v9 =	vld.idx.msk [tilespmem:v10+s3+$0x0], $0xffff  }
0xcc: {  	v10 =	vadd.s32 v44, v8;
	_ =	sdelay $0x3  }
0xcd: {  	[tilespmem:s31+$0x182B0] =	vst v9  }
0xce: {  	v9 =	vld.idx.msk [tilespmem:v10+s3+$0x0], $0xffff  }
0xcf: {  	v10 =	vadd.s32 v45, v8;
	_ =	sdelay $0x3  }
0xd0: {  	[tilespmem:s31+$0x182C0] =	vst v9  }
0xd1: {  	v9 =	vld.idx.msk [tilespmem:v10+s3+$0x0], $0xffff  }
0xd2: {  	v10 =	vadd.s32 v46, v8;
	_ =	sdelay $0x3  }
0xd3: {  	[tilespmem:s31+$0x182D0] =	vst v9  }
0xd4: {  	v9 =	vld.idx.msk [tilespmem:v10+s3+$0x0], $0xffff  }
0xd5: {  	v10 =	vadd.s32 v47, v8;
	_ =	sdelay $0x3  }
0xd6: {  	[tilespmem:s31+$0x182E0] =	vst v9  }
0xd7: {  	v9 =	vld.idx.msk [tilespmem:v10+s3+$0x0], $0xffff  }
0xd8: {  	v10 =	vadd.s32 v48, v8;
	_ =	sdelay $0x3  }
0xd9: {  	[tilespmem:s31+$0x182F0] =	vst v9  }
0xda: {  	v9 =	vld.idx.msk [tilespmem:v10+s3+$0x0], $0xffff  }
0xdb: {  	v10 =	vadd.s32 v49, v8;
	_ =	sdelay $0x3  }
0xdc: {  	[tilespmem:s31+$0x18300] =	vst v9  }
0xdd: {  	v9 =	vld.idx.msk [tilespmem:v10+s3+$0x0], $0xffff  }
0xde: {  	v10 =	vadd.s32 v50, v8;
	_ =	sdelay $0x3  }
0xdf: {  	[tilespmem:s31+$0x18310] =	vst v9  }
0xe0: {  	v9 =	vld.idx.msk [tilespmem:v10+s3+$0x0], $0xffff  }
0xe1: {  	v10 =	vadd.s32 v51, v8;
	_ =	sdelay $0x3  }
0xe2: {  	[tilespmem:s31+$0x18320] =	vst v9  }
0xe3: {  	v9 =	vld.idx.msk [tilespmem:v10+s3+$0x0], $0xffff  }
0xe4: {  	v10 =	vadd.s32 v52, v8;
	_ =	sdelay $0x3  }
0xe5: {  	[tilespmem:s31+$0x18330] =	vst v9  }
0xe6: {  	v9 =	vld.idx.msk [tilespmem:v10+s3+$0x0], $0xffff  }
0xe7: {  	v10 =	vadd.s32 v53, v8;
	_ =	sdelay $0x3  }
0xe8: {  	[tilespmem:s31+$0x18340] =	vst v9  }
0xe9: {  	v9 =	vld.idx.msk [tilespmem:v10+s3+$0x0], $0xffff  }
0xea: {  	v10 =	vadd.s32 v54, v8;
	_ =	sdelay $0x3  }
0xeb: {  	[tilespmem:s31+$0x18350] =	vst v9  }
0xec: {  	v9 =	vld.idx.msk [tilespmem:v10+s3+$0x0], $0xffff  }
0xed: {  	v10 =	vadd.s32 v55, v8;
	_ =	sdelay $0x3  }
0xee: {  	[tilespmem:s31+$0x18360] =	vst v9  }
0xef: {  	v9 =	vld.idx.msk [tilespmem:v10+s3+$0x0], $0xffff  }
0xf0: {  	v10 =	vadd.s32 v56, v8;
	_ =	sdelay $0x3  }
0xf1: {  	[tilespmem:s31+$0x18370] =	vst v9  }
0xf2: {  	v9 =	vld.idx.msk [tilespmem:v10+s3+$0x0], $0xffff  }
0xf3: {  	v10 =	vadd.s32 v57, v8;
	_ =	sdelay $0x3  }
0xf4: {  	[tilespmem:s31+$0x18380] =	vst v9  }
0xf5: {  	v9 =	vld.idx.msk [tilespmem:v10+s3+$0x0], $0xffff  }
0xf6: {  	v10 =	vadd.s32 v58, v8;
	_ =	sdelay $0x3  }
0xf7: {  	[tilespmem:s31+$0x18390] =	vst v9  }
0xf8: {  	v9 =	vld.idx.msk [tilespmem:v10+s3+$0x0], $0xffff  }
0xf9: {  	v10 =	vadd.s32 v59, v8;
	_ =	sdelay $0x3  }
0xfa: {  	[tilespmem:s31+$0x183A0] =	vst v9  }
0xfb: {  	v9 =	vld.idx.msk [tilespmem:v10+s3+$0x0], $0xffff  }
0xfc: {  	v10 =	vadd.s32 v60, v8;
	_ =	sdelay $0x3  }
0xfd: {  	[tilespmem:s31+$0x183B0] =	vst v9  }
0xfe: {  	v9 =	vld.idx.msk [tilespmem:v10+s3+$0x0], $0xffff  }
0xff: {  	v10 =	vadd.s32 v61, v8;
	_ =	sdelay $0x3  }
0x100: {  	[tilespmem:s31+$0x183C0] =	vst v9  }
0x101: {  	v9 =	vld.idx.msk [tilespmem:v10+s3+$0x0], $0xffff  }
0x102: {  	v10 =	vadd.s32 v62, v8;
	_ =	sdelay $0x3  }
0x103: {  	[tilespmem:s31+$0x183D0] =	vst v9  }
0x104: {  	v9 =	vld.idx.msk [tilespmem:v10+s3+$0x0], $0xffff  }
0x105: {  	v8 =	vadd.s32 v63, v8;
	_ =	sdelay $0x3  }
0x106: {  	[tilespmem:s31+$0x183E0] =	vst v9  }
0x107: {  	v8 =	vld.idx.msk [tilespmem:v8+s3+$0x0], $0xffff  }
0x108: {  	s18 =	sadd.s32 $0x1, s18  }
0x109: {  	p0 =	sne.s32 s18, $0x40  }
.Ltmp0:
0x10a: {  	_ = 	snop;
	(pc) =	sbr.rel @p0 .LBB2_2-.Ltmp0, $4  }
0x10b: {  	_ = 	snop  }
0x10c: {  	s19 =	sor.u32 $0x18000, s31;
	[tilespmem:s31+$0x183F0] =	vst v8  }
0x10d: {  	[hbm4b:s15+s3] =	stream.linear.scatter [tilespmem:s19], [sflag:$0x2], $0x400, $0x38;
	[tilespmem:$0x18880] =	vst v63  }
0x10e: {  	s16 =	sadd.s32 $0x400, s16;
	s17 =	sadd.s32 $0x1000, s17;
	s15 =	sadd.s32 $0x80, s15  }
0x10f: {  	s14 =	sadd.s32 $0x1, s14  }
0x110: {  	_ =	swait.ge [sflag:s13], $0x400;
	p0 =	sne.s32 s14, s6  }
.Ltmp1:
0x111: {  	[sflag:s13] =	ssyncset.done $0x0;
	(pc) =	sbr.rel @p0 .LBB2_1-.Ltmp1, $4  }
0x112: {  	[sflag:s13] =	ssyncadd.s32 $0xFFFFFC00  }
0x113: {  	_ =	swait.ge [sflag:s13], $0x400  }
0x114: {  	[sflag:s13] =	ssyncset.done $0x0  }
0x115: {  	[sflag:s13] =	ssyncadd.s32 $0xFFFFFC00  }
0x116: {  	_ =	sfence.sel $0x180000  }
0x117: {  	[bflag:$0x0] =	sbarrier.arrive $0xFFFF  }
0x118: {  	p0 =	sne.s32 s2, $0x0;
	_ =	strace $0x90000047  }
0x119: {  	s0 =	sadd.s32 @!p0 $0x100000, s0;
	[bflag:$0x2] =	sbarrier.arrive $0xFFFF  }
0x11a: {  	[sflag:s0] =	ssyncadd.tile.s32 @!p0 $0x1;
	_ =	shalt  }
.Lfunc_end2:
_tile_overlayer_lowered:
.L_overlay_start_2:
0x11b: {  	(tag) =	ssettag $0x2  }
0x11c: {  	s0 =	rddreg [dreg:$0x0];
	s2 =	stileid.u32  }
0x11d: {  	s1 =	rddreg [dreg:$0x1];
	p0 =	sne.s32 s2, $0x0  }
0x11e: {  	s3 =	rddreg [dreg:$0x2];
	[bflag:$0x3] =	sbarrier.arrive $0xFFFF;
	s2 =	simm.s32 @!p0 $0x1C03  }
0x11f: {  	[timem:s3], [sflag:s2] =	dma.local @!p0 [hbm:s0], s1  }
0x120: {  	s0 =	simm.s32 @!p0 $0x3  }
0x121: {  	_ =	swait.ge @!p0 [sflag:s0], s1  }
0x122: {  	s1 =	ssub.s32 @!p0 $0x0, s1;
	[sflag:s0] =	ssyncset.done @!p0 $0x0  }
0x123: {  	[sflag:s0] =	ssyncadd.s32 @!p0 s1  }
0x124: {  	[bflag:$0x3] =	sbarrier.arrive $0xFFFF  }
0x125: {  	_ =	shalt  }

</sc_bundles>
